<compile_context>
chip_gen: v7x
topology: tpu7x:2x2x1
jax: 0.10.2.dev20260603
libtpu: 0.0.44.dev20260713+nightly
codegen_flags: <defaults>
</compile_context>

<pallas_src>
import functools

import jax
import jax.numpy as jnp
from jax import lax
from jax.experimental import pallas as pl
from jax.experimental.pallas import tpu as pltpu
from jax.experimental.pallas import tpu_sc as plsc

Q = 1024
K = 16384
BQ = 128
GRID = Q // BQ
NV = Q // 16


def _tc_body(qx, qy, qz, px, py, pz, nx, ny, nz, sc, n8, ss_ref, sn_ref):
    qxv = qx[...]
    qyv = qy[...]
    qzv = qz[...]
    pxv = px[...]
    pyv = py[...]
    pzv = pz[...]
    nxv = nx[...]
    nyv = ny[...]
    nzv = nz[...]
    scv = sc[...]

    dx = qxv - pxv
    dy = qyv - pyv
    dz = qzv - pzv
    d2 = dx * dx + dy * dy + dz * dz
    d = jnp.sqrt(d2)

    d3 = d2.reshape(BQ, K // 128, 128)
    m1 = jnp.min(d3, axis=1)
    m2 = jnp.min(jnp.where(d3 > m1[:, None, :], d3, jnp.inf), axis=1)
    m3 = jnp.min(jnp.where(d3 > m2[:, None, :], d3, jnp.inf), axis=1)
    mc = jnp.concatenate([m1, m2, m3], axis=1)
    m = jnp.full((BQ, 1), -jnp.inf, jnp.float32)
    for _ in range(8):
        m = jnp.min(jnp.where(mc > m, mc, jnp.inf), axis=1, keepdims=True)
    le = d2 <= m

    lebf = jnp.where(le, 1.0, 0.0).astype(jnp.bfloat16)
    sums8 = jax.lax.dot_general(
        lebf, n8[...],
        (((1,), (0,)), ((), ())),
        preferred_element_type=jnp.float32,
    )
    cnt = sums8[:, 0:1]
    sx = sums8[:, 1:2] + sums8[:, 4:5]
    sy = sums8[:, 2:3] + sums8[:, 5:6]
    sz = sums8[:, 3:4] + sums8[:, 6:7]
    xn_x = sx / cnt
    xn_y = sy / cnt
    xn_z = sz / cnt

    na = jnp.sqrt(xn_x * xn_x + xn_y * xn_y + xn_z * xn_z)
    nb = jnp.sqrt(nxv * nxv + nyv * nyv + nzv * nzv)
    dot = xn_x * nxv + xn_y * nyv + xn_z * nzv
    thr = jnp.maximum((0.75 * na) * nb, 0.75e-6)
    gt = dot > thr

    sn_ref[...] = jnp.sum(jnp.where(gt, 1.0, 0.0), axis=1, keepdims=True)
    lsc = jnp.log(scv)
    ss_ref[...] = jnp.sum(jnp.where(gt, jnp.exp(lsc - d), 0.0),
                          axis=1, keepdims=True)


def _tc_dense(qx, qy, qz, px, py, pz, nx, ny, nz, sc, n8):
    qspec = pl.BlockSpec((BQ, 1), lambda i: (i, 0))
    kspec = pl.BlockSpec((1, K), lambda i: (0, 0))
    n8spec = pl.BlockSpec((K, 8), lambda i: (0, 0))
    ospec = pl.BlockSpec((BQ, 1), lambda i: (i, 0))
    return pl.pallas_call(
        _tc_body,
        grid=(GRID,),
        in_specs=[qspec, qspec, qspec] + [kspec] * 7 + [n8spec],
        out_specs=[ospec, ospec],
        out_shape=[
            jax.ShapeDtypeStruct((Q, 1), jnp.float32),
            jax.ShapeDtypeStruct((Q, 1), jnp.float32),
        ],
    )(qx, qy, qz, px, py, pz, nx, ny, nz, sc, n8)


def _sc_compact_body(ss_hbm, sn_hbm, field_hbm, nzj_hbm,
                     ss_v, sn_v, nzj_v, field_v):
    c = lax.axis_index("c")
    s = lax.axis_index("s")

    @pl.when(jnp.logical_and(c == 0, s == 0))
    def _():
        pltpu.sync_copy(ss_hbm, ss_v)
        pltpu.sync_copy(sn_hbm, sn_v)

        zeros16 = jnp.zeros((16,), jnp.int32)
        for j in range(NV):
            nzj_v[pl.ds(j * 16, 16)] = zeros16

        base_iota = lax.iota(jnp.int32, 16)

        def step(j, off):
            v = sn_v[pl.ds(j * 16, 16)]
            msk = v != 0.0
            idxv = base_iota + j * 16
            plsc.store_compressed(nzj_v.at[pl.ds(off, 16)], idxv, mask=msk)
            pc = plsc.all_reduce_population_count(msk)
            return off + pc[0]

        lax.fori_loop(0, NV, step, jnp.int32(0))

        def emit(j, carry):
            idxv = nzj_v[pl.ds(j * 16, 16)]
            ssg = plsc.load_gather(ss_v, [idxv])
            sng = plsc.load_gather(sn_v, [idxv])
            field_v[pl.ds(j * 16, 16)] = ssg / sng
            return carry

        lax.fori_loop(0, NV, emit, jnp.int32(0))

        pltpu.sync_copy(field_v, field_hbm)
        pltpu.sync_copy(nzj_v, nzj_hbm)


@functools.partial(
    pl.kernel,
    mesh=plsc.VectorSubcoreMesh(core_axis_name="c", subcore_axis_name="s"),
    out_type=[
        jax.ShapeDtypeStruct((Q,), jnp.float32),
        jax.ShapeDtypeStruct((Q,), jnp.int32),
    ],
    scratch_types=[
        pltpu.VMEM((Q,), jnp.float32),
        pltpu.VMEM((Q,), jnp.float32),
        pltpu.VMEM((Q,), jnp.int32),
        pltpu.VMEM((Q,), jnp.float32),
    ],
    compiler_params=pltpu.CompilerParams(needs_layout_passes=False),
)
def _sc_compact(ss_hbm, sn_hbm, field_hbm, nzj_hbm,
                ss_v, sn_v, nzj_v, field_v):
    _sc_compact_body(ss_hbm, sn_hbm, field_hbm, nzj_hbm,
                     ss_v, sn_v, nzj_v, field_v)


def kernel(x_world, voxel_point, voxel_normal, score):
    q = x_world.reshape(Q, 3)
    p = voxel_point.reshape(K, 3)
    qx = q[:, 0].reshape(Q, 1)
    qy = q[:, 1].reshape(Q, 1)
    qz = q[:, 2].reshape(Q, 1)
    px = p[:, 0].reshape(1, K)
    py = p[:, 1].reshape(1, K)
    pz = p[:, 2].reshape(1, K)
    nx = voxel_normal[:, 0].reshape(1, K)
    ny = voxel_normal[:, 1].reshape(1, K)
    nz = voxel_normal[:, 2].reshape(1, K)
    sc = score.reshape(1, K)

    nh = voxel_normal.astype(jnp.bfloat16)
    nl = (voxel_normal - nh.astype(jnp.float32)).astype(jnp.bfloat16)
    n8 = jnp.concatenate(
        [jnp.ones((K, 1), jnp.bfloat16), nh, nl,
         jnp.zeros((K, 1), jnp.bfloat16)], axis=1)

    ss, sn = _tc_dense(qx, qy, qz, px, py, pz, nx, ny, nz, sc, n8)
    field, nzj = _sc_compact(ss.reshape(Q), sn.reshape(Q))
    return field, nzj

# --- scband reference (transcript-rebuilt; emitter-appended) ---
"""Pipeline reference for scband-direct-25701084299719 (READ-ONLY COPY).

The authoritative reference and input builder live on the scoring server;
editing this copy changes nothing except your own understanding.
"""

import jax, jax.numpy as jnp
import numpy as np


def setup_inputs(seed: int = 0) -> dict:
    key = jax.random.key(seed)
    k1, k2, k3, k4 = jax.random.split(key, 4)
    x_world = jax.random.normal(k1, (1024, 1, 3), dtype=jnp.float32)
    voxel_point = jax.random.normal(k2, (1, 16384, 3), dtype=jnp.float32)
    voxel_normal = jax.random.normal(k3, (16384, 3), dtype=jnp.float32)
    score = jax.random.uniform(k4, (16384,), dtype=jnp.float32)
    return {"x_world": x_world, "voxel_point": voxel_point, "voxel_normal": voxel_normal, "score": score}


def reference(x_world, voxel_point, voxel_normal, score):
    K = voxel_normal.shape[0]
    # pairwise distances [Q, K]
    distance = jnp.linalg.norm(x_world - voxel_point[:, :, :3], axis=-1)
    # 8 nearest voxels per query (ascending sort, take first 8 indices)
    idx = jnp.argsort(distance, axis=1)[:, :8]
    x_normal = jnp.mean(voxel_normal[idx], axis=1)[:, None, :]  # [Q, 1, 3]
    # cosine similarity between query normal and every voxel normal
    a = jnp.broadcast_to(x_normal, (x_normal.shape[0], K, 3))
    b = jnp.broadcast_to(voxel_normal[None, :, :], (x_normal.shape[0], K, 3))
    dot = jnp.sum(a * b, axis=-1)
    denom = jnp.clip(jnp.linalg.norm(a, axis=-1) * jnp.linalg.norm(b, axis=-1), 1e-6, None)
    output = dot / denom  # [Q, K]
    score_num = jnp.sum(output > 0.75, axis=1)  # [Q]
    nonzerojudge = jnp.nonzero(score_num != 0, size=score_num.shape[0], fill_value=0)[0]
    mask = (output > 0.75).astype(score.dtype)
    score_sum = jnp.sum(score[None, :] * mask / jnp.exp(distance), axis=1)  # [Q]
    x_world_field = score_sum[nonzerojudge] / score_num[nonzerojudge].astype(score.dtype)
    return (x_world_field, nonzerojudge)

if __name__ == "__main__":
    import jax
    _d = setup_inputs()
    print(jax.jit(kernel)(*tuple(_d.values())))

</pallas_src>

<mosaic_0001>
#map = affine_map<(d0, d1) -> (0)>
module attributes {stable_mosaic.version = 14 : i64} {
  func.func @_sc_compact(%arg0: i32, %arg1: i32, %arg2: memref<1024xf32, #tpu.memory_space<hbm>>, %arg3: memref<1024xf32, #tpu.memory_space<hbm>>, %arg4: memref<1024xf32, #tpu.memory_space<hbm>>, %arg5: memref<1024xi32, #tpu.memory_space<hbm>>, %arg6: memref<1024xf32, #tpu.memory_space<vmem>>, %arg7: memref<1024xf32, #tpu.memory_space<vmem>>, %arg8: memref<1024xi32, #tpu.memory_space<vmem>>, %arg9: memref<1024xf32, #tpu.memory_space<vmem>>) attributes {dimension_semantics = [#tpu.dimension_semantics<core_parallel>, #tpu.dimension_semantics<subcore_parallel>], iteration_bounds = array<i64: 2, 16>, scalar_prefetch = 0 : i64, scratch_operands = 4 : i64, tpu.core_type = #tpu.core_type<sc_vector_subcore>, window_params = [{transform_indices = #map}, {transform_indices = #map}, {transform_indices = #map}, {transform_indices = #map}]} {
    %eq3A = arith.constant 0 : i32
    %eq3A_0 = arith.cmpi eq, %arg0, %eq3A : i32
    %eq3A_1 = arith.constant 0 : i32
    %eq3A_2 = arith.cmpi eq, %arg1, %eq3A_1 : i32
    %and3A = arith.andi %eq3A_0, %eq3A_2 : i1
    %convert_element_type3A = arith.extui %and3A : i1 to i32
    %cond3A = arith.constant 0 : i32
    %cond3A_3 = arith.cmpi ne, %convert_element_type3A, %cond3A : i32
    scf.if %cond3A_3 {
      "tpu.region"() ({
        %run_scoped3A = tpu.sem_alloc : memref<!tpu.dma_semaphore, #tpu.memory_space<semaphore_mem>>
        tpu.enqueue_dma source(%arg2 : memref<1024xf32, #tpu.memory_space<hbm>>) target(%arg6 : memref<1024xf32, #tpu.memory_space<vmem>>) target_semaphore(%run_scoped3A : memref<!tpu.dma_semaphore, #tpu.memory_space<semaphore_mem>>)
        tpu.wait_dma2 semaphore(%run_scoped3A : memref<!tpu.dma_semaphore, #tpu.memory_space<semaphore_mem>>) src(%arg2 : memref<1024xf32, #tpu.memory_space<hbm>>) dst(%arg6 : memref<1024xf32, #tpu.memory_space<vmem>>)
        tpu.yield
      }) : () -> ()
      "tpu.region"() ({
        %run_scoped3A = tpu.sem_alloc : memref<!tpu.dma_semaphore, #tpu.memory_space<semaphore_mem>>
        tpu.enqueue_dma source(%arg3 : memref<1024xf32, #tpu.memory_space<hbm>>) target(%arg7 : memref<1024xf32, #tpu.memory_space<vmem>>) target_semaphore(%run_scoped3A : memref<!tpu.dma_semaphore, #tpu.memory_space<semaphore_mem>>)
        tpu.wait_dma2 semaphore(%run_scoped3A : memref<!tpu.dma_semaphore, #tpu.memory_space<semaphore_mem>>) src(%arg3 : memref<1024xf32, #tpu.memory_space<hbm>>) dst(%arg7 : memref<1024xf32, #tpu.memory_space<vmem>>)
        tpu.yield
      }) : () -> ()
      %broadcast_in_dim3A = arith.constant 0 : i32
      %broadcast_in_dim3A_4 = vector.broadcast %broadcast_in_dim3A : i32 to vector<16xi32>
      %swap3A = arith.constant 0 : index
      %swap3A_5 = tpu.vector_load %arg8[%swap3A] {strides = array<i32>} : memref<1024xi32, #tpu.memory_space<vmem>>, vector<16xi32>,
      tpu.vector_store %arg8[%swap3A], %broadcast_in_dim3A_4 {strides = array<i32>} : memref<1024xi32, #tpu.memory_space<vmem>>, vector<16xi32>,
      %swap3A_6 = arith.constant 16 : index
      %swap3A_7 = tpu.vector_load %arg8[%swap3A_6] {strides = array<i32>} : memref<1024xi32, #tpu.memory_space<vmem>>, vector<16xi32>,
      tpu.vector_store %arg8[%swap3A_6], %broadcast_in_dim3A_4 {strides = array<i32>} : memref<1024xi32, #tpu.memory_space<vmem>>, vector<16xi32>,
      %swap3A_8 = arith.constant 32 : index
      %swap3A_9 = tpu.vector_load %arg8[%swap3A_8] {strides = array<i32>} : memref<1024xi32, #tpu.memory_space<vmem>>, vector<16xi32>,
      tpu.vector_store %arg8[%swap3A_8], %broadcast_in_dim3A_4 {strides = array<i32>} : memref<1024xi32, #tpu.memory_space<vmem>>, vector<16xi32>,
      %swap3A_10 = arith.constant 48 : index
      %swap3A_11 = tpu.vector_load %arg8[%swap3A_10] {strides = array<i32>} : memref<1024xi32, #tpu.memory_space<vmem>>, vector<16xi32>,
      tpu.vector_store %arg8[%swap3A_10], %broadcast_in_dim3A_4 {strides = array<i32>} : memref<1024xi32, #tpu.memory_space<vmem>>, vector<16xi32>,
      %swap3A_12 = arith.constant 64 : index
      %swap3A_13 = tpu.vector_load %arg8[%swap3A_12] {strides = array<i32>} : memref<1024xi32, #tpu.memory_space<vmem>>, vector<16xi32>,
      tpu.vector_store %arg8[%swap3A_12], %broadcast_in_dim3A_4 {strides = array<i32>} : memref<1024xi32, #tpu.memory_space<vmem>>, vector<16xi32>,
      %swap3A_14 = arith.constant 80 : index
      %swap3A_15 = tpu.vector_load %arg8[%swap3A_14] {strides = array<i32>} : memref<1024xi32, #tpu.memory_space<vmem>>, vector<16xi32>,
      tpu.vector_store %arg8[%swap3A_14], %broadcast_in_dim3A_4 {strides = array<i32>} : memref<1024xi32, #tpu.memory_space<vmem>>, vector<16xi32>,
      %swap3A_16 = arith.constant 96 : index
      %swap3A_17 = tpu.vector_load %arg8[%swap3A_16] {strides = array<i32>} : memref<1024xi32, #tpu.memory_space<vmem>>, vector<16xi32>,
      tpu.vector_store %arg8[%swap3A_16], %broadcast_in_dim3A_4 {strides = array<i32>} : memref<1024xi32, #tpu.memory_space<vmem>>, vector<16xi32>,
      %swap3A_18 = arith.constant 112 : index
      %swap3A_19 = tpu.vector_load %arg8[%swap3A_18] {strides = array<i32>} : memref<1024xi32, #tpu.memory_space<vmem>>, vector<16xi32>,
      tpu.vector_store %arg8[%swap3A_18], %broadcast_in_dim3A_4 {strides = array<i32>} : memref<1024xi32, #tpu.memory_space<vmem>>, vector<16xi32>,
      %swap3A_20 = arith.constant 128 : index
      %swap3A_21 = tpu.vector_load %arg8[%swap3A_20] {strides = array<i32>} : memref<1024xi32, #tpu.memory_space<vmem>>, vector<16xi32>,
      tpu.vector_store %arg8[%swap3A_20], %broadcast_in_dim3A_4 {strides = array<i32>} : memref<1024xi32, #tpu.memory_space<vmem>>, vector<16xi32>,
      %swap3A_22 = arith.constant 144 : index
      %swap3A_23 = tpu.vector_load %arg8[%swap3A_22] {strides = array<i32>} : memref<1024xi32, #tpu.memory_space<vmem>>, vector<16xi32>,
      tpu.vector_store %arg8[%swap3A_22], %broadcast_in_dim3A_4 {strides = array<i32>} : memref<1024xi32, #tpu.memory_space<vmem>>, vector<16xi32>,
      %swap3A_24 = arith.constant 160 : index
      %swap3A_25 = tpu.vector_load %arg8[%swap3A_24] {strides = array<i32>} : memref<1024xi32, #tpu.memory_space<vmem>>, vector<16xi32>,
      tpu.vector_store %arg8[%swap3A_24], %broadcast_in_dim3A_4 {strides = array<i32>} : memref<1024xi32, #tpu.memory_space<vmem>>, vector<16xi32>,
      %swap3A_26 = arith.constant 176 : index
      %swap3A_27 = tpu.vector_load %arg8[%swap3A_26] {strides = array<i32>} : memref<1024xi32, #tpu.memory_space<vmem>>, vector<16xi32>,
      tpu.vector_store %arg8[%swap3A_26], %broadcast_in_dim3A_4 {strides = array<i32>} : memref<1024xi32, #tpu.memory_space<vmem>>, vector<16xi32>,
      %swap3A_28 = arith.constant 192 : index
      %swap3A_29 = tpu.vector_load %arg8[%swap3A_28] {strides = array<i32>} : memref<1024xi32, #tpu.memory_space<vmem>>, vector<16xi32>,
      tpu.vector_store %arg8[%swap3A_28], %broadcast_in_dim3A_4 {strides = array<i32>} : memref<1024xi32, #tpu.memory_space<vmem>>, vector<16xi32>,
      %swap3A_30 = arith.constant 208 : index
      %swap3A_31 = tpu.vector_load %arg8[%swap3A_30] {strides = array<i32>} : memref<1024xi32, #tpu.memory_space<vmem>>, vector<16xi32>,
      tpu.vector_store %arg8[%swap3A_30], %broadcast_in_dim3A_4 {strides = array<i32>} : memref<1024xi32, #tpu.memory_space<vmem>>, vector<16xi32>,
      %swap3A_32 = arith.constant 224 : index
      %swap3A_33 = tpu.vector_load %arg8[%swap3A_32] {strides = array<i32>} : memref<1024xi32, #tpu.memory_space<vmem>>, vector<16xi32>,
      tpu.vector_store %arg8[%swap3A_32], %broadcast_in_dim3A_4 {strides = array<i32>} : memref<1024xi32, #tpu.memory_space<vmem>>, vector<16xi32>,
      %swap3A_34 = arith.constant 240 : index
      %swap3A_35 = tpu.vector_load %arg8[%swap3A_34] {strides = array<i32>} : memref<1024xi32, #tpu.memory_space<vmem>>, vector<16xi32>,
      tpu.vector_store %arg8[%swap3A_34], %broadcast_in_dim3A_4 {strides = array<i32>} : memref<1024xi32, #tpu.memory_space<vmem>>, vector<16xi32>,
      %swap3A_36 = arith.constant 256 : index
      %swap3A_37 = tpu.vector_load %arg8[%swap3A_36] {strides = array<i32>} : memref<1024xi32, #tpu.memory_space<vmem>>, vector<16xi32>,
      tpu.vector_store %arg8[%swap3A_36], %broadcast_in_dim3A_4 {strides = array<i32>} : memref<1024xi32, #tpu.memory_space<vmem>>, vector<16xi32>,
      %swap3A_38 = arith.constant 272 : index
      %swap3A_39 = tpu.vector_load %arg8[%swap3A_38] {strides = array<i32>} : memref<1024xi32, #tpu.memory_space<vmem>>, vector<16xi32>,
      tpu.vector_store %arg8[%swap3A_38], %broadcast_in_dim3A_4 {strides = array<i32>} : memref<1024xi32, #tpu.memory_space<vmem>>, vector<16xi32>,
      %swap3A_40 = arith.constant 288 : index
      %swap3A_41 = tpu.vector_load %arg8[%swap3A_40] {strides = array<i32>} : memref<1024xi32, #tpu.memory_space<vmem>>, vector<16xi32>,
      tpu.vector_store %arg8[%swap3A_40], %broadcast_in_dim3A_4 {strides = array<i32>} : memref<1024xi32, #tpu.memory_space<vmem>>, vector<16xi32>,
      %swap3A_42 = arith.constant 304 : index
      %swap3A_43 = tpu.vector_load %arg8[%swap3A_42] {strides = array<i32>} : memref<1024xi32, #tpu.memory_space<vmem>>, vector<16xi32>,
      tpu.vector_store %arg8[%swap3A_42], %broadcast_in_dim3A_4 {strides = array<i32>} : memref<1024xi32, #tpu.memory_space<vmem>>, vector<16xi32>,
      %swap3A_44 = arith.constant 320 : index
      %swap3A_45 = tpu.vector_load %arg8[%swap3A_44] {strides = array<i32>} : memref<1024xi32, #tpu.memory_space<vmem>>, vector<16xi32>,
      tpu.vector_store %arg8[%swap3A_44], %broadcast_in_dim3A_4 {strides = array<i32>} : memref<1024xi32, #tpu.memory_space<vmem>>, vector<16xi32>,
      %swap3A_46 = arith.constant 336 : index
      %swap3A_47 = tpu.vector_load %arg8[%swap3A_46] {strides = array<i32>} : memref<1024xi32, #tpu.memory_space<vmem>>, vector<16xi32>,
      tpu.vector_store %arg8[%swap3A_46], %broadcast_in_dim3A_4 {strides = array<i32>} : memref<1024xi32, #tpu.memory_space<vmem>>, vector<16xi32>,
      %swap3A_48 = arith.constant 352 : index
      %swap3A_49 = tpu.vector_load %arg8[%swap3A_48] {strides = array<i32>} : memref<1024xi32, #tpu.memory_space<vmem>>, vector<16xi32>,
      tpu.vector_store %arg8[%swap3A_48], %broadcast_in_dim3A_4 {strides = array<i32>} : memref<1024xi32, #tpu.memory_space<vmem>>, vector<16xi32>,
      %swap3A_50 = arith.constant 368 : index
      %swap3A_51 = tpu.vector_load %arg8[%swap3A_50] {strides = array<i32>} : memref<1024xi32, #tpu.memory_space<vmem>>, vector<16xi32>,
      tpu.vector_store %arg8[%swap3A_50], %broadcast_in_dim3A_4 {strides = array<i32>} : memref<1024xi32, #tpu.memory_space<vmem>>, vector<16xi32>,
      %swap3A_52 = arith.constant 384 : index
      %swap3A_53 = tpu.vector_load %arg8[%swap3A_52] {strides = array<i32>} : memref<1024xi32, #tpu.memory_space<vmem>>, vector<16xi32>,
      tpu.vector_store %arg8[%swap3A_52], %broadcast_in_dim3A_4 {strides = array<i32>} : memref<1024xi32, #tpu.memory_space<vmem>>, vector<16xi32>,
      %swap3A_54 = arith.constant 400 : index
      %swap3A_55 = tpu.vector_load %arg8[%swap3A_54] {strides = array<i32>} : memref<1024xi32, #tpu.memory_space<vmem>>, vector<16xi32>,
      tpu.vector_store %arg8[%swap3A_54], %broadcast_in_dim3A_4 {strides = array<i32>} : memref<1024xi32, #tpu.memory_space<vmem>>, vector<16xi32>,
      %swap3A_56 = arith.constant 416 : index
      %swap3A_57 = tpu.vector_load %arg8[%swap3A_56] {strides = array<i32>} : memref<1024xi32, #tpu.memory_space<vmem>>, vector<16xi32>,
      tpu.vector_store %arg8[%swap3A_56], %broadcast_in_dim3A_4 {strides = array<i32>} : memref<1024xi32, #tpu.memory_space<vmem>>, vector<16xi32>,
      %swap3A_58 = arith.constant 432 : index
      %swap3A_59 = tpu.vector_load %arg8[%swap3A_58] {strides = array<i32>} : memref<1024xi32, #tpu.memory_space<vmem>>, vector<16xi32>,
      tpu.vector_store %arg8[%swap3A_58], %broadcast_in_dim3A_4 {strides = array<i32>} : memref<1024xi32, #tpu.memory_space<vmem>>, vector<16xi32>,
      %swap3A_60 = arith.constant 448 : index
      %swap3A_61 = tpu.vector_load %arg8[%swap3A_60] {strides = array<i32>} : memref<1024xi32, #tpu.memory_space<vmem>>, vector<16xi32>,
      tpu.vector_store %arg8[%swap3A_60], %broadcast_in_dim3A_4 {strides = array<i32>} : memref<1024xi32, #tpu.memory_space<vmem>>, vector<16xi32>,
      %swap3A_62 = arith.constant 464 : index
      %swap3A_63 = tpu.vector_load %arg8[%swap3A_62] {strides = array<i32>} : memref<1024xi32, #tpu.memory_space<vmem>>, vector<16xi32>,
      tpu.vector_store %arg8[%swap3A_62], %broadcast_in_dim3A_4 {strides = array<i32>} : memref<1024xi32, #tpu.memory_space<vmem>>, vector<16xi32>,
      %swap3A_64 = arith.constant 480 : index
      %swap3A_65 = tpu.vector_load %arg8[%swap3A_64] {strides = array<i32>} : memref<1024xi32, #tpu.memory_space<vmem>>, vector<16xi32>,
      tpu.vector_store %arg8[%swap3A_64], %broadcast_in_dim3A_4 {strides = array<i32>} : memref<1024xi32, #tpu.memory_space<vmem>>, vector<16xi32>,
      %swap3A_66 = arith.constant 496 : index
      %swap3A_67 = tpu.vector_load %arg8[%swap3A_66] {strides = array<i32>} : memref<1024xi32, #tpu.memory_space<vmem>>, vector<16xi32>,
      tpu.vector_store %arg8[%swap3A_66], %broadcast_in_dim3A_4 {strides = array<i32>} : memref<1024xi32, #tpu.memory_space<vmem>>, vector<16xi32>,
      %swap3A_68 = arith.constant 512 : index
      %swap3A_69 = tpu.vector_load %arg8[%swap3A_68] {strides = array<i32>} : memref<1024xi32, #tpu.memory_space<vmem>>, vector<16xi32>,
      tpu.vector_store %arg8[%swap3A_68], %broadcast_in_dim3A_4 {strides = array<i32>} : memref<1024xi32, #tpu.memory_space<vmem>>, vector<16xi32>,
      %swap3A_70 = arith.constant 528 : index
      %swap3A_71 = tpu.vector_load %arg8[%swap3A_70] {strides = array<i32>} : memref<1024xi32, #tpu.memory_space<vmem>>, vector<16xi32>,
      tpu.vector_store %arg8[%swap3A_70], %broadcast_in_dim3A_4 {strides = array<i32>} : memref<1024xi32, #tpu.memory_space<vmem>>, vector<16xi32>,
      %swap3A_72 = arith.constant 544 : index
      %swap3A_73 = tpu.vector_load %arg8[%swap3A_72] {strides = array<i32>} : memref<1024xi32, #tpu.memory_space<vmem>>, vector<16xi32>,
      tpu.vector_store %arg8[%swap3A_72], %broadcast_in_dim3A_4 {strides = array<i32>} : memref<1024xi32, #tpu.memory_space<vmem>>, vector<16xi32>,
      %swap3A_74 = arith.constant 560 : index
      %swap3A_75 = tpu.vector_load %arg8[%swap3A_74] {strides = array<i32>} : memref<1024xi32, #tpu.memory_space<vmem>>, vector<16xi32>,
      tpu.vector_store %arg8[%swap3A_74], %broadcast_in_dim3A_4 {strides = array<i32>} : memref<1024xi32, #tpu.memory_space<vmem>>, vector<16xi32>,
      %swap3A_76 = arith.constant 576 : index
      %swap3A_77 = tpu.vector_load %arg8[%swap3A_76] {strides = array<i32>} : memref<1024xi32, #tpu.memory_space<vmem>>, vector<16xi32>,
      tpu.vector_store %arg8[%swap3A_76], %broadcast_in_dim3A_4 {strides = array<i32>} : memref<1024xi32, #tpu.memory_space<vmem>>, vector<16xi32>,
      %swap3A_78 = arith.constant 592 : index
      %swap3A_79 = tpu.vector_load %arg8[%swap3A_78] {strides = array<i32>} : memref<1024xi32, #tpu.memory_space<vmem>>, vector<16xi32>,
      tpu.vector_store %arg8[%swap3A_78], %broadcast_in_dim3A_4 {strides = array<i32>} : memref<1024xi32, #tpu.memory_space<vmem>>, vector<16xi32>,
      %swap3A_80 = arith.constant 608 : index
      %swap3A_81 = tpu.vector_load %arg8[%swap3A_80] {strides = array<i32>} : memref<1024xi32, #tpu.memory_space<vmem>>, vector<16xi32>,
      tpu.vector_store %arg8[%swap3A_80], %broadcast_in_dim3A_4 {strides = array<i32>} : memref<1024xi32, #tpu.memory_space<vmem>>, vector<16xi32>,
      %swap3A_82 = arith.constant 624 : index
      %swap3A_83 = tpu.vector_load %arg8[%swap3A_82] {strides = array<i32>} : memref<1024xi32, #tpu.memory_space<vmem>>, vector<16xi32>,
      tpu.vector_store %arg8[%swap3A_82], %broadcast_in_dim3A_4 {strides = array<i32>} : memref<1024xi32, #tpu.memory_space<vmem>>, vector<16xi32>,
      %swap3A_84 = arith.constant 640 : index
      %swap3A_85 = tpu.vector_load %arg8[%swap3A_84] {strides = array<i32>} : memref<1024xi32, #tpu.memory_space<vmem>>, vector<16xi32>,
      tpu.vector_store %arg8[%swap3A_84], %broadcast_in_dim3A_4 {strides = array<i32>} : memref<1024xi32, #tpu.memory_space<vmem>>, vector<16xi32>,
      %swap3A_86 = arith.constant 656 : index
      %swap3A_87 = tpu.vector_load %arg8[%swap3A_86] {strides = array<i32>} : memref<1024xi32, #tpu.memory_space<vmem>>, vector<16xi32>,
      tpu.vector_store %arg8[%swap3A_86], %broadcast_in_dim3A_4 {strides = array<i32>} : memref<1024xi32, #tpu.memory_space<vmem>>, vector<16xi32>,
      %swap3A_88 = arith.constant 672 : index
      %swap3A_89 = tpu.vector_load %arg8[%swap3A_88] {strides = array<i32>} : memref<1024xi32, #tpu.memory_space<vmem>>, vector<16xi32>,
      tpu.vector_store %arg8[%swap3A_88], %broadcast_in_dim3A_4 {strides = array<i32>} : memref<1024xi32, #tpu.memory_space<vmem>>, vector<16xi32>,
      %swap3A_90 = arith.constant 688 : index
      %swap3A_91 = tpu.vector_load %arg8[%swap3A_90] {strides = array<i32>} : memref<1024xi32, #tpu.memory_space<vmem>>, vector<16xi32>,
      tpu.vector_store %arg8[%swap3A_90], %broadcast_in_dim3A_4 {strides = array<i32>} : memref<1024xi32, #tpu.memory_space<vmem>>, vector<16xi32>,
      %swap3A_92 = arith.constant 704 : index
      %swap3A_93 = tpu.vector_load %arg8[%swap3A_92] {strides = array<i32>} : memref<1024xi32, #tpu.memory_space<vmem>>, vector<16xi32>,
      tpu.vector_store %arg8[%swap3A_92], %broadcast_in_dim3A_4 {strides = array<i32>} : memref<1024xi32, #tpu.memory_space<vmem>>, vector<16xi32>,
      %swap3A_94 = arith.constant 720 : index
      %swap3A_95 = tpu.vector_load %arg8[%swap3A_94] {strides = array<i32>} : memref<1024xi32, #tpu.memory_space<vmem>>, vector<16xi32>,
      tpu.vector_store %arg8[%swap3A_94], %broadcast_in_dim3A_4 {strides = array<i32>} : memref<1024xi32, #tpu.memory_space<vmem>>, vector<16xi32>,
      %swap3A_96 = arith.constant 736 : index
      %swap3A_97 = tpu.vector_load %arg8[%swap3A_96] {strides = array<i32>} : memref<1024xi32, #tpu.memory_space<vmem>>, vector<16xi32>,
      tpu.vector_store %arg8[%swap3A_96], %broadcast_in_dim3A_4 {strides = array<i32>} : memref<1024xi32, #tpu.memory_space<vmem>>, vector<16xi32>,
      %swap3A_98 = arith.constant 752 : index
      %swap3A_99 = tpu.vector_load %arg8[%swap3A_98] {strides = array<i32>} : memref<1024xi32, #tpu.memory_space<vmem>>, vector<16xi32>,
      tpu.vector_store %arg8[%swap3A_98], %broadcast_in_dim3A_4 {strides = array<i32>} : memref<1024xi32, #tpu.memory_space<vmem>>, vector<16xi32>,
      %swap3A_100 = arith.constant 768 : index
      %swap3A_101 = tpu.vector_load %arg8[%swap3A_100] {strides = array<i32>} : memref<1024xi32, #tpu.memory_space<vmem>>, vector<16xi32>,
      tpu.vector_store %arg8[%swap3A_100], %broadcast_in_dim3A_4 {strides = array<i32>} : memref<1024xi32, #tpu.memory_space<vmem>>, vector<16xi32>,
      %swap3A_102 = arith.constant 784 : index
      %swap3A_103 = tpu.vector_load %arg8[%swap3A_102] {strides = array<i32>} : memref<1024xi32, #tpu.memory_space<vmem>>, vector<16xi32>,
      tpu.vector_store %arg8[%swap3A_102], %broadcast_in_dim3A_4 {strides = array<i32>} : memref<1024xi32, #tpu.memory_space<vmem>>, vector<16xi32>,
      %swap3A_104 = arith.constant 800 : index
      %swap3A_105 = tpu.vector_load %arg8[%swap3A_104] {strides = array<i32>} : memref<1024xi32, #tpu.memory_space<vmem>>, vector<16xi32>,
      tpu.vector_store %arg8[%swap3A_104], %broadcast_in_dim3A_4 {strides = array<i32>} : memref<1024xi32, #tpu.memory_space<vmem>>, vector<16xi32>,
      %swap3A_106 = arith.constant 816 : index
      %swap3A_107 = tpu.vector_load %arg8[%swap3A_106] {strides = array<i32>} : memref<1024xi32, #tpu.memory_space<vmem>>, vector<16xi32>,
      tpu.vector_store %arg8[%swap3A_106], %broadcast_in_dim3A_4 {strides = array<i32>} : memref<1024xi32, #tpu.memory_space<vmem>>, vector<16xi32>,
      %swap3A_108 = arith.constant 832 : index
      %swap3A_109 = tpu.vector_load %arg8[%swap3A_108] {strides = array<i32>} : memref<1024xi32, #tpu.memory_space<vmem>>, vector<16xi32>,
      tpu.vector_store %arg8[%swap3A_108], %broadcast_in_dim3A_4 {strides = array<i32>} : memref<1024xi32, #tpu.memory_space<vmem>>, vector<16xi32>,
      %swap3A_110 = arith.constant 848 : index
      %swap3A_111 = tpu.vector_load %arg8[%swap3A_110] {strides = array<i32>} : memref<1024xi32, #tpu.memory_space<vmem>>, vector<16xi32>,
      tpu.vector_store %arg8[%swap3A_110], %broadcast_in_dim3A_4 {strides = array<i32>} : memref<1024xi32, #tpu.memory_space<vmem>>, vector<16xi32>,
      %swap3A_112 = arith.constant 864 : index
      %swap3A_113 = tpu.vector_load %arg8[%swap3A_112] {strides = array<i32>} : memref<1024xi32, #tpu.memory_space<vmem>>, vector<16xi32>,
      tpu.vector_store %arg8[%swap3A_112], %broadcast_in_dim3A_4 {strides = array<i32>} : memref<1024xi32, #tpu.memory_space<vmem>>, vector<16xi32>,
      %swap3A_114 = arith.constant 880 : index
      %swap3A_115 = tpu.vector_load %arg8[%swap3A_114] {strides = array<i32>} : memref<1024xi32, #tpu.memory_space<vmem>>, vector<16xi32>,
      tpu.vector_store %arg8[%swap3A_114], %broadcast_in_dim3A_4 {strides = array<i32>} : memref<1024xi32, #tpu.memory_space<vmem>>, vector<16xi32>,
      %swap3A_116 = arith.constant 896 : index
      %swap3A_117 = tpu.vector_load %arg8[%swap3A_116] {strides = array<i32>} : memref<1024xi32, #tpu.memory_space<vmem>>, vector<16xi32>,
      tpu.vector_store %arg8[%swap3A_116], %broadcast_in_dim3A_4 {strides = array<i32>} : memref<1024xi32, #tpu.memory_space<vmem>>, vector<16xi32>,
      %swap3A_118 = arith.constant 912 : index
      %swap3A_119 = tpu.vector_load %arg8[%swap3A_118] {strides = array<i32>} : memref<1024xi32, #tpu.memory_space<vmem>>, vector<16xi32>,
      tpu.vector_store %arg8[%swap3A_118], %broadcast_in_dim3A_4 {strides = array<i32>} : memref<1024xi32, #tpu.memory_space<vmem>>, vector<16xi32>,
      %swap3A_120 = arith.constant 928 : index
      %swap3A_121 = tpu.vector_load %arg8[%swap3A_120] {strides = array<i32>} : memref<1024xi32, #tpu.memory_space<vmem>>, vector<16xi32>,
      tpu.vector_store %arg8[%swap3A_120], %broadcast_in_dim3A_4 {strides = array<i32>} : memref<1024xi32, #tpu.memory_space<vmem>>, vector<16xi32>,
      %swap3A_122 = arith.constant 944 : index
      %swap3A_123 = tpu.vector_load %arg8[%swap3A_122] {strides = array<i32>} : memref<1024xi32, #tpu.memory_space<vmem>>, vector<16xi32>,
      tpu.vector_store %arg8[%swap3A_122], %broadcast_in_dim3A_4 {strides = array<i32>} : memref<1024xi32, #tpu.memory_space<vmem>>, vector<16xi32>,
      %swap3A_124 = arith.constant 960 : index
      %swap3A_125 = tpu.vector_load %arg8[%swap3A_124] {strides = array<i32>} : memref<1024xi32, #tpu.memory_space<vmem>>, vector<16xi32>,
      tpu.vector_store %arg8[%swap3A_124], %broadcast_in_dim3A_4 {strides = array<i32>} : memref<1024xi32, #tpu.memory_space<vmem>>, vector<16xi32>,
      %swap3A_126 = arith.constant 976 : index
      %swap3A_127 = tpu.vector_load %arg8[%swap3A_126] {strides = array<i32>} : memref<1024xi32, #tpu.memory_space<vmem>>, vector<16xi32>,
      tpu.vector_store %arg8[%swap3A_126], %broadcast_in_dim3A_4 {strides = array<i32>} : memref<1024xi32, #tpu.memory_space<vmem>>, vector<16xi32>,
      %swap3A_128 = arith.constant 992 : index
      %swap3A_129 = tpu.vector_load %arg8[%swap3A_128] {strides = array<i32>} : memref<1024xi32, #tpu.memory_space<vmem>>, vector<16xi32>,
      tpu.vector_store %arg8[%swap3A_128], %broadcast_in_dim3A_4 {strides = array<i32>} : memref<1024xi32, #tpu.memory_space<vmem>>, vector<16xi32>,
      %swap3A_130 = arith.constant 1008 : index
      %swap3A_131 = tpu.vector_load %arg8[%swap3A_130] {strides = array<i32>} : memref<1024xi32, #tpu.memory_space<vmem>>, vector<16xi32>,
      tpu.vector_store %arg8[%swap3A_130], %broadcast_in_dim3A_4 {strides = array<i32>} : memref<1024xi32, #tpu.memory_space<vmem>>, vector<16xi32>,
      %iota3A = tpu.iota {dimensions = array<i32: 0>} : vector<16xi32>
      %scan3A = arith.constant 0 : i32
      %scan3A_132 = arith.constant 0 : i32
      %scan3A_133 = arith.constant 64 : i32
      %scan3A_134 = arith.addi %scan3A_132, %scan3A_133 : i32
      %scan3A_135 = arith.constant 1 : i32
      %scan3A_136 = scf.for %scan3A_144 = %scan3A_132 to %scan3A_134 step %scan3A_135 iter_args(%scan3A_145 = %scan3A) -> (i32)  : i32 {
        %mul3A = arith.constant 16 : i32
        %mul3A_146 = arith.muli %scan3A_144, %mul3A : i32
        %get3A = arith.index_cast %mul3A_146 : i32 to index
        %get3A_147 = tpu.vector_load %arg7[%get3A] {strides = array<i32>} : memref<1024xf32, #tpu.memory_space<vmem>>, vector<16xf32>,
        %ne3A = arith.constant 0.000000e+00 : f32
        %ne3A_148 = vector.broadcast %ne3A : f32 to vector<16xf32>
        %ne3A_149 = arith.cmpf one, %get3A_147, %ne3A_148 : vector<16xf32>
        %mul3A_150 = arith.constant 16 : i32
        %mul3A_151 = arith.muli %scan3A_144, %mul3A_150 : i32
        %add3A = vector.broadcast %mul3A_151 : i32 to vector<16xi32>
        %add3A_152 = arith.addi %iota3A, %add3A : vector<16xi32>
        %swap3A_153 = arith.index_cast %scan3A_145 : i32 to index
        %swap3A_154 = tpu.vector_load %arg8[%swap3A_153] masked %ne3A_149 {strides = array<i32>} : memref<1024xi32, #tpu.memory_space<vmem>>, vector<16xi32>, vector<16xi1>
        tpu.vector_store %arg8[%swap3A_153], %add3A_152 masked %ne3A_149 {strides = array<i32>} : memref<1024xi32, #tpu.memory_space<vmem>>, vector<16xi32>, vector<16xi1>
        %all_reduce_population_count3A = tpu.all_reduce %ne3A_149 {dim = 0 : i64, kind = #tpu.reduction_kind<sum>} : vector<16xi1> -> vector<16xi32>
        %slice3A = vector.extract_strided_slice %all_reduce_population_count3A {offsets = [0], sizes = [1], strides = [1]} : vector<16xi32> to vector<1xi32>
        %squeeze3A = vector.extract %slice3A[0] : i32 from vector<1xi32>
        %add3A_155 = arith.addi %scan3A_145, %squeeze3A : i32
        scf.yield %add3A_155 : i32
      }
      %scan3A_137 = arith.constant 64 : i32
      %scan3A_138 = arith.constant 0 : i32
      %scan3A_139 = arith.constant 0 : i32
      %scan3A_140 = arith.constant 64 : i32
      %scan3A_141 = arith.addi %scan3A_139, %scan3A_140 : i32
      %scan3A_142 = arith.constant 1 : i32
      scf.for %scan3A_144 = %scan3A_139 to %scan3A_141 step %scan3A_142  : i32 {
        %mul3A = arith.constant 16 : i32
        %mul3A_145 = arith.muli %scan3A_144, %mul3A : i32
        %get3A = arith.index_cast %mul3A_145 : i32 to index
        %get3A_146 = tpu.vector_load %arg8[%get3A] {strides = array<i32>} : memref<1024xi32, #tpu.memory_space<vmem>>, vector<16xi32>,
        %gather3A = tpu.vector_load_idx %arg6[%get3A_146] : memref<1024xf32, #tpu.memory_space<vmem>>[vector<16xi32>], vector<16xf32>,
        %gather3A_147 = tpu.vector_load_idx %arg7[%get3A_146] : memref<1024xf32, #tpu.memory_space<vmem>>[vector<16xi32>], vector<16xf32>,
        %div3A = arith.divf %gather3A, %gather3A_147 : vector<16xf32>
        %mul3A_148 = arith.constant 16 : i32
        %mul3A_149 = arith.muli %scan3A_144, %mul3A_148 : i32
        %swap3A_150 = arith.index_cast %mul3A_149 : i32 to index
        %swap3A_151 = tpu.vector_load %arg9[%swap3A_150] {strides = array<i32>} : memref<1024xf32, #tpu.memory_space<vmem>>, vector<16xf32>,
        tpu.vector_store %arg9[%swap3A_150], %div3A {strides = array<i32>} : memref<1024xf32, #tpu.memory_space<vmem>>, vector<16xf32>,
      }
      %scan3A_143 = arith.constant 64 : i32
      "tpu.region"() ({
        %run_scoped3A = tpu.sem_alloc : memref<!tpu.dma_semaphore, #tpu.memory_space<semaphore_mem>>
        tpu.enqueue_dma source(%arg9 : memref<1024xf32, #tpu.memory_space<vmem>>) target(%arg4 : memref<1024xf32, #tpu.memory_space<hbm>>) target_semaphore(%run_scoped3A : memref<!tpu.dma_semaphore, #tpu.memory_space<semaphore_mem>>)
        tpu.wait_dma2 semaphore(%run_scoped3A : memref<!tpu.dma_semaphore, #tpu.memory_space<semaphore_mem>>) src(%arg9 : memref<1024xf32, #tpu.memory_space<vmem>>) dst(%arg4 : memref<1024xf32, #tpu.memory_space<hbm>>)
        tpu.yield
      }) : () -> ()
      "tpu.region"() ({
        %run_scoped3A = tpu.sem_alloc : memref<!tpu.dma_semaphore, #tpu.memory_space<semaphore_mem>>
        tpu.enqueue_dma source(%arg8 : memref<1024xi32, #tpu.memory_space<vmem>>) target(%arg5 : memref<1024xi32, #tpu.memory_space<hbm>>) target_semaphore(%run_scoped3A : memref<!tpu.dma_semaphore, #tpu.memory_space<semaphore_mem>>)
        tpu.wait_dma2 semaphore(%run_scoped3A : memref<!tpu.dma_semaphore, #tpu.memory_space<semaphore_mem>>) src(%arg8 : memref<1024xi32, #tpu.memory_space<vmem>>) dst(%arg5 : memref<1024xi32, #tpu.memory_space<hbm>>)
        tpu.yield
      }) : () -> ()
    } else {
    }
    return
  }
}

module attributes {stable_mosaic.version = 14 : i64} {
  func.func @_tc_body(%arg0: i32, %arg1: memref<128x1xf32, #tpu.memory_space<vmem>>, %arg2: memref<128x1xf32, #tpu.memory_space<vmem>>, %arg3: memref<128x1xf32, #tpu.memory_space<vmem>>, %arg4: memref<1x16384xf32, #tpu.memory_space<vmem>>, %arg5: memref<1x16384xf32, #tpu.memory_space<vmem>>, %arg6: memref<1x16384xf32, #tpu.memory_space<vmem>>, %arg7: memref<1x16384xf32, #tpu.memory_space<vmem>>, %arg8: memref<1x16384xf32, #tpu.memory_space<vmem>>, %arg9: memref<1x16384xf32, #tpu.memory_space<vmem>>, %arg10: memref<1x16384xf32, #tpu.memory_space<vmem>>, %arg11: memref<16384x8xbf16, #tpu.memory_space<vmem>>, %arg12: memref<128x1xf32, #tpu.memory_space<vmem>>, %arg13: memref<128x1xf32, #tpu.memory_space<vmem>>) attributes {dimension_semantics = [#tpu.dimension_semantics<arbitrary>], iteration_bounds = array<i64: 8>, scalar_prefetch = 0 : i64, scratch_operands = 0 : i64, tpu.core_type = #tpu.core_type<tc>, window_params = [{transform_indices = @transform_0, window_bounds = array<i64: 128, 1>}, {transform_indices = @transform_1, window_bounds = array<i64: 128, 1>}, {transform_indices = @transform_2, window_bounds = array<i64: 128, 1>}, {pipeline_mode = #tpu.pipeline_mode<synchronous>, transform_indices = @transform_3, window_bounds = array<i64: 1, 16384>}, {pipeline_mode = #tpu.pipeline_mode<synchronous>, transform_indices = @transform_4, window_bounds = array<i64: 1, 16384>}, {pipeline_mode = #tpu.pipeline_mode<synchronous>, transform_indices = @transform_5, window_bounds = array<i64: 1, 16384>}, {pipeline_mode = #tpu.pipeline_mode<synchronous>, transform_indices = @transform_6, window_bounds = array<i64: 1, 16384>}, {pipeline_mode = #tpu.pipeline_mode<synchronous>, transform_indices = @transform_7, window_bounds = array<i64: 1, 16384>}, {pipeline_mode = #tpu.pipeline_mode<synchronous>, transform_indices = @transform_8, window_bounds = array<i64: 1, 16384>}, {pipeline_mode = #tpu.pipeline_mode<synchronous>, transform_indices = @transform_9, window_bounds = array<i64: 1, 16384>}, {pipeline_mode = #tpu.pipeline_mode<synchronous>, transform_indices = @transform_10, window_bounds = array<i64: 16384, 8>}, {transform_indices = @transform_11, window_bounds = array<i64: 128, 1>}, {transform_indices = @transform_12, window_bounds = array<i64: 128, 1>}]} {
    %get3A = arith.constant 0 : index
    %get3A_0 = arith.constant 0 : index
    %get3A_1 = vector.load %arg1[%get3A, %get3A_0] : memref<128x1xf32, #tpu.memory_space<vmem>>, vector<128x1xf32>
    %get3A_2 = arith.constant 0 : index
    %get3A_3 = arith.constant 0 : index
    %get3A_4 = vector.load %arg2[%get3A_2, %get3A_3] : memref<128x1xf32, #tpu.memory_space<vmem>>, vector<128x1xf32>
    %get3A_5 = arith.constant 0 : index
    %get3A_6 = arith.constant 0 : index
    %get3A_7 = vector.load %arg3[%get3A_5, %get3A_6] : memref<128x1xf32, #tpu.memory_space<vmem>>, vector<128x1xf32>
    %get3A_8 = arith.constant 0 : index
    %get3A_9 = arith.constant 0 : index
    %get3A_10 = vector.load %arg4[%get3A_8, %get3A_9] : memref<1x16384xf32, #tpu.memory_space<vmem>>, vector<1x16384xf32>
    %get3A_11 = arith.constant 0 : index
    %get3A_12 = arith.constant 0 : index
    %get3A_13 = vector.load %arg5[%get3A_11, %get3A_12] : memref<1x16384xf32, #tpu.memory_space<vmem>>, vector<1x16384xf32>
    %get3A_14 = arith.constant 0 : index
    %get3A_15 = arith.constant 0 : index
    %get3A_16 = vector.load %arg6[%get3A_14, %get3A_15] : memref<1x16384xf32, #tpu.memory_space<vmem>>, vector<1x16384xf32>
    %get3A_17 = arith.constant 0 : index
    %get3A_18 = arith.constant 0 : index
    %get3A_19 = vector.load %arg7[%get3A_17, %get3A_18] : memref<1x16384xf32, #tpu.memory_space<vmem>>, vector<1x16384xf32>
    %get3A_20 = arith.constant 0 : index
    %get3A_21 = arith.constant 0 : index
    %get3A_22 = vector.load %arg8[%get3A_20, %get3A_21] : memref<1x16384xf32, #tpu.memory_space<vmem>>, vector<1x16384xf32>
    %get3A_23 = arith.constant 0 : index
    %get3A_24 = arith.constant 0 : index
    %get3A_25 = vector.load %arg9[%get3A_23, %get3A_24] : memref<1x16384xf32, #tpu.memory_space<vmem>>, vector<1x16384xf32>
    %get3A_26 = arith.constant 0 : index
    %get3A_27 = arith.constant 0 : index
    %get3A_28 = vector.load %arg10[%get3A_26, %get3A_27] : memref<1x16384xf32, #tpu.memory_space<vmem>>, vector<1x16384xf32>
    %sub3A = vector.broadcast %get3A_1 : vector<128x1xf32> to vector<128x16384xf32>
    %sub3A_29 = vector.broadcast %get3A_10 : vector<1x16384xf32> to vector<128x16384xf32>
    %sub3A_30 = arith.subf %sub3A, %sub3A_29 : vector<128x16384xf32>
    %sub3A_31 = vector.broadcast %get3A_4 : vector<128x1xf32> to vector<128x16384xf32>
    %sub3A_32 = vector.broadcast %get3A_13 : vector<1x16384xf32> to vector<128x16384xf32>
    %sub3A_33 = arith.subf %sub3A_31, %sub3A_32 : vector<128x16384xf32>
    %sub3A_34 = vector.broadcast %get3A_7 : vector<128x1xf32> to vector<128x16384xf32>
    %sub3A_35 = vector.broadcast %get3A_16 : vector<1x16384xf32> to vector<128x16384xf32>
    %sub3A_36 = arith.subf %sub3A_34, %sub3A_35 : vector<128x16384xf32>
    %mul3A = arith.mulf %sub3A_30, %sub3A_30 : vector<128x16384xf32>
    %mul3A_37 = arith.mulf %sub3A_33, %sub3A_33 : vector<128x16384xf32>
    %add3A = arith.addf %mul3A, %mul3A_37 : vector<128x16384xf32>
    %mul3A_38 = arith.mulf %sub3A_36, %sub3A_36 : vector<128x16384xf32>
    %add3A_39 = arith.addf %add3A, %mul3A_38 : vector<128x16384xf32>
    %sqrt3A = math.sqrt %add3A_39 : vector<128x16384xf32>
    %reshape3A = vector.shape_cast %add3A_39 : vector<128x16384xf32> to vector<128x128x128xf32>
    %reduce_min3A = arith.constant dense<0x7F800000> : vector<128x128xf32>
    %reduce_min3A_40 = vector.multi_reduction <minimumf>, %reshape3A, %reduce_min3A [1] : vector<128x128x128xf32> to vector<128x128xf32>
    %broadcast_in_dim3A = vector.shape_cast %reduce_min3A_40 : vector<128x128xf32> to vector<128x1x128xf32>
    %gt3A = vector.broadcast %broadcast_in_dim3A : vector<128x1x128xf32> to vector<128x128x128xf32>
    %gt3A_41 = arith.cmpf ogt, %reshape3A, %gt3A : vector<128x128x128xf32>
    %jit3A = arith.constant 0x7F800000 : f32
    %broadcast_in_dim3A_42 = vector.broadcast %jit3A : f32 to vector<128x128x128xf32>
    %select_n3A = arith.select %gt3A_41, %reshape3A, %broadcast_in_dim3A_42 : vector<128x128x128xi1>, vector<128x128x128xf32>
    %reduce_min3A_43 = arith.constant dense<0x7F800000> : vector<128x128xf32>
    %reduce_min3A_44 = vector.multi_reduction <minimumf>, %select_n3A, %reduce_min3A_43 [1] : vector<128x128x128xf32> to vector<128x128xf32>
    %broadcast_in_dim3A_45 = vector.shape_cast %reduce_min3A_44 : vector<128x128xf32> to vector<128x1x128xf32>
    %gt3A_46 = vector.broadcast %broadcast_in_dim3A_45 : vector<128x1x128xf32> to vector<128x128x128xf32>
    %gt3A_47 = arith.cmpf ogt, %reshape3A, %gt3A_46 : vector<128x128x128xf32>
    %jit3A_48 = arith.constant 0x7F800000 : f32
    %broadcast_in_dim3A_49 = vector.broadcast %jit3A_48 : f32 to vector<128x128x128xf32>
    %select_n3A_50 = arith.select %gt3A_47, %reshape3A, %broadcast_in_dim3A_49 : vector<128x128x128xi1>, vector<128x128x128xf32>
    %reduce_min3A_51 = arith.constant dense<0x7F800000> : vector<128x128xf32>
    %reduce_min3A_52 = vector.multi_reduction <minimumf>, %select_n3A_50, %reduce_min3A_51 [1] : vector<128x128x128xf32> to vector<128x128xf32>
    %concatenate3A = tpu.concatenate %reduce_min3A_40, %reduce_min3A_44, %reduce_min3A_52 in 1 : vector<128x128xf32>, vector<128x128xf32>, vector<128x128xf32> -> vector<128x384xf32>
    %broadcast_in_dim3A_53 = arith.constant 0xFF800000 : f32
    %broadcast_in_dim3A_54 = vector.broadcast %broadcast_in_dim3A_53 : f32 to vector<128x1xf32>
    %gt3A_55 = vector.broadcast %broadcast_in_dim3A_54 : vector<128x1xf32> to vector<128x384xf32>
    %gt3A_56 = arith.cmpf ogt, %concatenate3A, %gt3A_55 : vector<128x384xf32>
    %jit3A_57 = arith.constant 0x7F800000 : f32
    %broadcast_in_dim3A_58 = vector.broadcast %jit3A_57 : f32 to vector<128x384xf32>
    %select_n3A_59 = arith.select %gt3A_56, %concatenate3A, %broadcast_in_dim3A_58 : vector<128x384xi1>, vector<128x384xf32>
    %reduce_min3A_60 = arith.constant dense<0x7F800000> : vector<128xf32>
    %reduce_min3A_61 = vector.multi_reduction <minimumf>, %select_n3A_59, %reduce_min3A_60 [1] : vector<128x384xf32> to vector<128xf32>
    %broadcast_in_dim3A_62 = vector.shape_cast %reduce_min3A_61 : vector<128xf32> to vector<128x1xf32>
    %gt3A_63 = vector.broadcast %broadcast_in_dim3A_62 : vector<128x1xf32> to vector<128x384xf32>
    %gt3A_64 = arith.cmpf ogt, %concatenate3A, %gt3A_63 : vector<128x384xf32>
    %jit3A_65 = arith.constant 0x7F800000 : f32
    %broadcast_in_dim3A_66 = vector.broadcast %jit3A_65 : f32 to vector<128x384xf32>
    %select_n3A_67 = arith.select %gt3A_64, %concatenate3A, %broadcast_in_dim3A_66 : vector<128x384xi1>, vector<128x384xf32>
    %reduce_min3A_68 = arith.constant dense<0x7F800000> : vector<128xf32>
    %reduce_min3A_69 = vector.multi_reduction <minimumf>, %select_n3A_67, %reduce_min3A_68 [1] : vector<128x384xf32> to vector<128xf32>
    %broadcast_in_dim3A_70 = vector.shape_cast %reduce_min3A_69 : vector<128xf32> to vector<128x1xf32>
    %gt3A_71 = vector.broadcast %broadcast_in_dim3A_70 : vector<128x1xf32> to vector<128x384xf32>
    %gt3A_72 = arith.cmpf ogt, %concatenate3A, %gt3A_71 : vector<128x384xf32>
    %jit3A_73 = arith.constant 0x7F800000 : f32
    %broadcast_in_dim3A_74 = vector.broadcast %jit3A_73 : f32 to vector<128x384xf32>
    %select_n3A_75 = arith.select %gt3A_72, %concatenate3A, %broadcast_in_dim3A_74 : vector<128x384xi1>, vector<128x384xf32>
    %reduce_min3A_76 = arith.constant dense<0x7F800000> : vector<128xf32>
    %reduce_min3A_77 = vector.multi_reduction <minimumf>, %select_n3A_75, %reduce_min3A_76 [1] : vector<128x384xf32> to vector<128xf32>
    %broadcast_in_dim3A_78 = vector.shape_cast %reduce_min3A_77 : vector<128xf32> to vector<128x1xf32>
    %gt3A_79 = vector.broadcast %broadcast_in_dim3A_78 : vector<128x1xf32> to vector<128x384xf32>
    %gt3A_80 = arith.cmpf ogt, %concatenate3A, %gt3A_79 : vector<128x384xf32>
    %jit3A_81 = arith.constant 0x7F800000 : f32
    %broadcast_in_dim3A_82 = vector.broadcast %jit3A_81 : f32 to vector<128x384xf32>
    %select_n3A_83 = arith.select %gt3A_80, %concatenate3A, %broadcast_in_dim3A_82 : vector<128x384xi1>, vector<128x384xf32>
    %reduce_min3A_84 = arith.constant dense<0x7F800000> : vector<128xf32>
    %reduce_min3A_85 = vector.multi_reduction <minimumf>, %select_n3A_83, %reduce_min3A_84 [1] : vector<128x384xf32> to vector<128xf32>
    %broadcast_in_dim3A_86 = vector.shape_cast %reduce_min3A_85 : vector<128xf32> to vector<128x1xf32>
    %gt3A_87 = vector.broadcast %broadcast_in_dim3A_86 : vector<128x1xf32> to vector<128x384xf32>
    %gt3A_88 = arith.cmpf ogt, %concatenate3A, %gt3A_87 : vector<128x384xf32>
    %jit3A_89 = arith.constant 0x7F800000 : f32
    %broadcast_in_dim3A_90 = vector.broadcast %jit3A_89 : f32 to vector<128x384xf32>
    %select_n3A_91 = arith.select %gt3A_88, %concatenate3A, %broadcast_in_dim3A_90 : vector<128x384xi1>, vector<128x384xf32>
    %reduce_min3A_92 = arith.constant dense<0x7F800000> : vector<128xf32>
    %reduce_min3A_93 = vector.multi_reduction <minimumf>, %select_n3A_91, %reduce_min3A_92 [1] : vector<128x384xf32> to vector<128xf32>
    %broadcast_in_dim3A_94 = vector.shape_cast %reduce_min3A_93 : vector<128xf32> to vector<128x1xf32>
    %gt3A_95 = vector.broadcast %broadcast_in_dim3A_94 : vector<128x1xf32> to vector<128x384xf32>
    %gt3A_96 = arith.cmpf ogt, %concatenate3A, %gt3A_95 : vector<128x384xf32>
    %jit3A_97 = arith.constant 0x7F800000 : f32
    %broadcast_in_dim3A_98 = vector.broadcast %jit3A_97 : f32 to vector<128x384xf32>
    %select_n3A_99 = arith.select %gt3A_96, %concatenate3A, %broadcast_in_dim3A_98 : vector<128x384xi1>, vector<128x384xf32>
    %reduce_min3A_100 = arith.constant dense<0x7F800000> : vector<128xf32>
    %reduce_min3A_101 = vector.multi_reduction <minimumf>, %select_n3A_99, %reduce_min3A_100 [1] : vector<128x384xf32> to vector<128xf32>
    %broadcast_in_dim3A_102 = vector.shape_cast %reduce_min3A_101 : vector<128xf32> to vector<128x1xf32>
    %gt3A_103 = vector.broadcast %broadcast_in_dim3A_102 : vector<128x1xf32> to vector<128x384xf32>
    %gt3A_104 = arith.cmpf ogt, %concatenate3A, %gt3A_103 : vector<128x384xf32>
    %jit3A_105 = arith.constant 0x7F800000 : f32
    %broadcast_in_dim3A_106 = vector.broadcast %jit3A_105 : f32 to vector<128x384xf32>
    %select_n3A_107 = arith.select %gt3A_104, %concatenate3A, %broadcast_in_dim3A_106 : vector<128x384xi1>, vector<128x384xf32>
    %reduce_min3A_108 = arith.constant dense<0x7F800000> : vector<128xf32>
    %reduce_min3A_109 = vector.multi_reduction <minimumf>, %select_n3A_107, %reduce_min3A_108 [1] : vector<128x384xf32> to vector<128xf32>
    %broadcast_in_dim3A_110 = vector.shape_cast %reduce_min3A_109 : vector<128xf32> to vector<128x1xf32>
    %gt3A_111 = vector.broadcast %broadcast_in_dim3A_110 : vector<128x1xf32> to vector<128x384xf32>
    %gt3A_112 = arith.cmpf ogt, %concatenate3A, %gt3A_111 : vector<128x384xf32>
    %jit3A_113 = arith.constant 0x7F800000 : f32
    %broadcast_in_dim3A_114 = vector.broadcast %jit3A_113 : f32 to vector<128x384xf32>
    %select_n3A_115 = arith.select %gt3A_112, %concatenate3A, %broadcast_in_dim3A_114 : vector<128x384xi1>, vector<128x384xf32>
    %reduce_min3A_116 = arith.constant dense<0x7F800000> : vector<128xf32>
    %reduce_min3A_117 = vector.multi_reduction <minimumf>, %select_n3A_115, %reduce_min3A_116 [1] : vector<128x384xf32> to vector<128xf32>
    %broadcast_in_dim3A_118 = vector.shape_cast %reduce_min3A_117 : vector<128xf32> to vector<128x1xf32>
    %le3A = vector.broadcast %broadcast_in_dim3A_118 : vector<128x1xf32> to vector<128x16384xf32>
    %le3A_119 = arith.cmpf ole, %add3A_39, %le3A : vector<128x16384xf32>
    %jit3A_120 = arith.constant 1.000000e+00 : f32
    %jit3A_121 = arith.constant 0.000000e+00 : f32
    %broadcast_in_dim3A_122 = vector.broadcast %jit3A_120 : f32 to vector<128x16384xf32>
    %broadcast_in_dim3A_123 = vector.broadcast %jit3A_121 : f32 to vector<128x16384xf32>
    %select_n3A_124 = arith.select %le3A_119, %broadcast_in_dim3A_122, %broadcast_in_dim3A_123 : vector<128x16384xi1>, vector<128x16384xf32>
    %convert_element_type3A = arith.truncf %select_n3A_124 : vector<128x16384xf32> to vector<128x16384xbf16>
    %get3A_125 = arith.constant 0 : index
    %get3A_126 = arith.constant 0 : index
    %get3A_127 = vector.load %arg11[%get3A_125, %get3A_126] : memref<16384x8xbf16, #tpu.memory_space<vmem>>, vector<16384x8xbf16>
    %dot_general3A = arith.constant dense<0.000000e+00> : vector<128x8xf32>
    %dot_general3A_128 = tpu.matmul %convert_element_type3A, %get3A_127, %dot_general3A {dimension_numbers = #tpu.dot_dimension_numbers<[1], [0], [0], [1], [0, 0, 1, 1], [], []>, transpose_lhs_hint = false} : vector<128x16384xbf16>, vector<16384x8xbf16>, vector<128x8xf32> -> vector<128x8xf32>
    %slice3A = vector.extract_strided_slice %dot_general3A_128 {offsets = [0, 0], sizes = [128, 1], strides = [1, 1]} : vector<128x8xf32> to vector<128x1xf32>
    %slice3A_129 = vector.extract_strided_slice %dot_general3A_128 {offsets = [0, 1], sizes = [128, 1], strides = [1, 1]} : vector<128x8xf32> to vector<128x1xf32>
    %slice3A_130 = vector.extract_strided_slice %dot_general3A_128 {offsets = [0, 4], sizes = [128, 1], strides = [1, 1]} : vector<128x8xf32> to vector<128x1xf32>
    %add3A_131 = arith.addf %slice3A_129, %slice3A_130 : vector<128x1xf32>
    %slice3A_132 = vector.extract_strided_slice %dot_general3A_128 {offsets = [0, 2], sizes = [128, 1], strides = [1, 1]} : vector<128x8xf32> to vector<128x1xf32>
    %slice3A_133 = vector.extract_strided_slice %dot_general3A_128 {offsets = [0, 5], sizes = [128, 1], strides = [1, 1]} : vector<128x8xf32> to vector<128x1xf32>
    %add3A_134 = arith.addf %slice3A_132, %slice3A_133 : vector<128x1xf32>
    %slice3A_135 = vector.extract_strided_slice %dot_general3A_128 {offsets = [0, 3], sizes = [128, 1], strides = [1, 1]} : vector<128x8xf32> to vector<128x1xf32>
    %slice3A_136 = vector.extract_strided_slice %dot_general3A_128 {offsets = [0, 6], sizes = [128, 1], strides = [1, 1]} : vector<128x8xf32> to vector<128x1xf32>
    %add3A_137 = arith.addf %slice3A_135, %slice3A_136 : vector<128x1xf32>
    %div3A = arith.divf %add3A_131, %slice3A : vector<128x1xf32>
    %div3A_138 = arith.divf %add3A_134, %slice3A : vector<128x1xf32>
    %div3A_139 = arith.divf %add3A_137, %slice3A : vector<128x1xf32>
    %mul3A_140 = arith.mulf %div3A, %div3A : vector<128x1xf32>
    %mul3A_141 = arith.mulf %div3A_138, %div3A_138 : vector<128x1xf32>
    %add3A_142 = arith.addf %mul3A_140, %mul3A_141 : vector<128x1xf32>
    %mul3A_143 = arith.mulf %div3A_139, %div3A_139 : vector<128x1xf32>
    %add3A_144 = arith.addf %add3A_142, %mul3A_143 : vector<128x1xf32>
    %sqrt3A_145 = math.sqrt %add3A_144 : vector<128x1xf32>
    %mul3A_146 = arith.mulf %get3A_19, %get3A_19 : vector<1x16384xf32>
    %mul3A_147 = arith.mulf %get3A_22, %get3A_22 : vector<1x16384xf32>
    %add3A_148 = arith.addf %mul3A_146, %mul3A_147 : vector<1x16384xf32>
    %mul3A_149 = arith.mulf %get3A_25, %get3A_25 : vector<1x16384xf32>
    %add3A_150 = arith.addf %add3A_148, %mul3A_149 : vector<1x16384xf32>
    %sqrt3A_151 = math.sqrt %add3A_150 : vector<1x16384xf32>
    %mul3A_152 = vector.broadcast %div3A : vector<128x1xf32> to vector<128x16384xf32>
    %mul3A_153 = vector.broadcast %get3A_19 : vector<1x16384xf32> to vector<128x16384xf32>
    %mul3A_154 = arith.mulf %mul3A_152, %mul3A_153 : vector<128x16384xf32>
    %mul3A_155 = vector.broadcast %div3A_138 : vector<128x1xf32> to vector<128x16384xf32>
    %mul3A_156 = vector.broadcast %get3A_22 : vector<1x16384xf32> to vector<128x16384xf32>
    %mul3A_157 = arith.mulf %mul3A_155, %mul3A_156 : vector<128x16384xf32>
    %add3A_158 = arith.addf %mul3A_154, %mul3A_157 : vector<128x16384xf32>
    %mul3A_159 = vector.broadcast %div3A_139 : vector<128x1xf32> to vector<128x16384xf32>
    %mul3A_160 = vector.broadcast %get3A_25 : vector<1x16384xf32> to vector<128x16384xf32>
    %mul3A_161 = arith.mulf %mul3A_159, %mul3A_160 : vector<128x16384xf32>
    %add3A_162 = arith.addf %add3A_158, %mul3A_161 : vector<128x16384xf32>
    %mul3A_163 = arith.constant 7.500000e-01 : f32
    %mul3A_164 = vector.broadcast %mul3A_163 : f32 to vector<128x1xf32>
    %mul3A_165 = arith.mulf %mul3A_164, %sqrt3A_145 : vector<128x1xf32>
    %mul3A_166 = vector.broadcast %mul3A_165 : vector<128x1xf32> to vector<128x16384xf32>
    %mul3A_167 = vector.broadcast %sqrt3A_151 : vector<1x16384xf32> to vector<128x16384xf32>
    %mul3A_168 = arith.mulf %mul3A_166, %mul3A_167 : vector<128x16384xf32>
    %max3A = arith.constant 7.500000e-07 : f32
    %max3A_169 = vector.broadcast %max3A : f32 to vector<128x16384xf32>
    %max3A_170 = arith.maximumf %mul3A_168, %max3A_169 : vector<128x16384xf32>
    %gt3A_171 = arith.cmpf ogt, %add3A_162, %max3A_170 : vector<128x16384xf32>
    %jit3A_172 = arith.constant 1.000000e+00 : f32
    %jit3A_173 = arith.constant 0.000000e+00 : f32
    %broadcast_in_dim3A_174 = vector.broadcast %jit3A_172 : f32 to vector<128x16384xf32>
    %broadcast_in_dim3A_175 = vector.broadcast %jit3A_173 : f32 to vector<128x16384xf32>
    %select_n3A_176 = arith.select %gt3A_171, %broadcast_in_dim3A_174, %broadcast_in_dim3A_175 : vector<128x16384xi1>, vector<128x16384xf32>
    %reduce_sum3A = arith.constant dense<0.000000e+00> : vector<128xf32>
    %reduce_sum3A_177 = vector.multi_reduction <add>, %select_n3A_176, %reduce_sum3A [1] : vector<128x16384xf32> to vector<128xf32>
    %broadcast_in_dim3A_178 = vector.shape_cast %reduce_sum3A_177 : vector<128xf32> to vector<128x1xf32>
    %swap3A = arith.constant 0 : index
    %swap3A_179 = arith.constant 0 : index
    %swap3A_180 = vector.load %arg13[%swap3A, %swap3A_179] : memref<128x1xf32, #tpu.memory_space<vmem>>, vector<128x1xf32>
    tpu.vector_store %arg13[%swap3A, %swap3A_179], %broadcast_in_dim3A_178 {strides = array<i32>} : memref<128x1xf32, #tpu.memory_space<vmem>>, vector<128x1xf32>,
    %log3A = math.log %get3A_28 : vector<1x16384xf32>
    %sub3A_181 = vector.broadcast %log3A : vector<1x16384xf32> to vector<128x16384xf32>
    %sub3A_182 = arith.subf %sub3A_181, %sqrt3A : vector<128x16384xf32>
    %exp3A = math.exp %sub3A_182 : vector<128x16384xf32>
    %jit3A_183 = arith.constant 0.000000e+00 : f32
    %broadcast_in_dim3A_184 = vector.broadcast %jit3A_183 : f32 to vector<128x16384xf32>
    %select_n3A_185 = arith.select %gt3A_171, %exp3A, %broadcast_in_dim3A_184 : vector<128x16384xi1>, vector<128x16384xf32>
    %reduce_sum3A_186 = arith.constant dense<0.000000e+00> : vector<128xf32>
    %reduce_sum3A_187 = vector.multi_reduction <add>, %select_n3A_185, %reduce_sum3A_186 [1] : vector<128x16384xf32> to vector<128xf32>
    %broadcast_in_dim3A_188 = vector.shape_cast %reduce_sum3A_187 : vector<128xf32> to vector<128x1xf32>
    %swap3A_189 = arith.constant 0 : index
    %swap3A_190 = arith.constant 0 : index
    %swap3A_191 = vector.load %arg12[%swap3A_189, %swap3A_190] : memref<128x1xf32, #tpu.memory_space<vmem>>, vector<128x1xf32>
    tpu.vector_store %arg12[%swap3A_189, %swap3A_190], %broadcast_in_dim3A_188 {strides = array<i32>} : memref<128x1xf32, #tpu.memory_space<vmem>>, vector<128x1xf32>,
    return
  }
  func.func @transform_0(%arg0: i32) -> (i32, i32) {
    %c0_i32 = arith.constant 0 : i32
    %c0_i32_0 = arith.constant 0 : i32
    return %arg0, %c0_i32 : i32, i32
  }
  func.func @transform_1(%arg0: i32) -> (i32, i32) {
    %c0_i32 = arith.constant 0 : i32
    %c0_i32_0 = arith.constant 0 : i32
    return %arg0, %c0_i32 : i32, i32
  }
  func.func @transform_2(%arg0: i32) -> (i32, i32) {
    %c0_i32 = arith.constant 0 : i32
    %c0_i32_0 = arith.constant 0 : i32
    return %arg0, %c0_i32 : i32, i32
  }
  func.func @transform_3(%arg0: i32) -> (i32, i32) {
    %c0_i32 = arith.constant 0 : i32
    %c0_i32_0 = arith.constant 0 : i32
    %c0_i32_1 = arith.constant 0 : i32
    return %c0_i32, %c0_i32_0 : i32, i32
  }
  func.func @transform_4(%arg0: i32) -> (i32, i32) {
    %c0_i32 = arith.constant 0 : i32
    %c0_i32_0 = arith.constant 0 : i32
    %c0_i32_1 = arith.constant 0 : i32
    return %c0_i32, %c0_i32_0 : i32, i32
  }
  func.func @transform_5(%arg0: i32) -> (i32, i32) {
    %c0_i32 = arith.constant 0 : i32
    %c0_i32_0 = arith.constant 0 : i32
    %c0_i32_1 = arith.constant 0 : i32
    return %c0_i32, %c0_i32_0 : i32, i32
  }
  func.func @transform_6(%arg0: i32) -> (i32, i32) {
    %c0_i32 = arith.constant 0 : i32
    %c0_i32_0 = arith.constant 0 : i32
    %c0_i32_1 = arith.constant 0 : i32
    return %c0_i32, %c0_i32_0 : i32, i32
  }
  func.func @transform_7(%arg0: i32) -> (i32, i32) {
    %c0_i32 = arith.constant 0 : i32
    %c0_i32_0 = arith.constant 0 : i32
    %c0_i32_1 = arith.constant 0 : i32
    return %c0_i32, %c0_i32_0 : i32, i32
  }
  func.func @transform_8(%arg0: i32) -> (i32, i32) {
    %c0_i32 = arith.constant 0 : i32
    %c0_i32_0 = arith.constant 0 : i32
    %c0_i32_1 = arith.constant 0 : i32
    return %c0_i32, %c0_i32_0 : i32, i32
  }
  func.func @transform_9(%arg0: i32) -> (i32, i32) {
    %c0_i32 = arith.constant 0 : i32
    %c0_i32_0 = arith.constant 0 : i32
    %c0_i32_1 = arith.constant 0 : i32
    return %c0_i32, %c0_i32_0 : i32, i32
  }
  func.func @transform_10(%arg0: i32) -> (i32, i32) {
    %c0_i32 = arith.constant 0 : i32
    %c0_i32_0 = arith.constant 0 : i32
    %c0_i32_1 = arith.constant 0 : i32
    return %c0_i32, %c0_i32_0 : i32, i32
  }
  func.func @transform_11(%arg0: i32) -> (i32, i32) {
    %c0_i32 = arith.constant 0 : i32
    %c0_i32_0 = arith.constant 0 : i32
    return %arg0, %c0_i32 : i32, i32
  }
  func.func @transform_12(%arg0: i32) -> (i32, i32) {
    %c0_i32 = arith.constant 0 : i32
    %c0_i32_0 = arith.constant 0 : i32
    return %arg0, %c0_i32 : i32, i32
  }
}

</mosaic_0001>

<sc_bundles>
// kernel: kernel.4.cloned.1.call-start
scs
__scs_entry_jumppad:
0x0: {  	(pc) =	sbr.rel $0x88, $3  }
0x1: {  	(tag) =	ssettag $0x0;
	lr =	simm.s32 $0x1  }
0x2: {  	[smem:$0x3F9D] =	sst lr;
	_ =	strace $0xD0000000  }
0x3: {  	_ = 	snop  }
0x4: {  	_ = 	snop  }
0x5: {  	_ = 	snop  }
0x6: {  	_ = 	snop  }
0x7: {  	_ = 	snop  }
__scs_overlays_trampoline_lowered:
0x8: {  	[smem:$0x3FAC] =	sst s0  }
0x9: {  	[smem:$0x3FAD] =	sst s1  }
0xa: {  	[smem:$0x3FAE] =	sst s2  }
0xb: {  	[smem:$0x3FAF] =	sst s3  }
0xc: {  	[smem:$0x3FB0] =	sst s4  }
0xd: {  	[smem:$0x3FB1] =	sst s5  }
0xe: {  	[smem:$0x3FB2] =	sst s6  }
0xf: {  	[smem:$0x3FB3] =	sst s7  }
0x10: {  	[smem:$0x3FB4] =	sst s8  }
0x11: {  	[smem:$0x3FB5] =	sst s9;
	s0 =	simm.s32 @!p0 $0x0  }
0x12: {  	s1 =	sld [smem:$0x3F9B];
	s0 =	simm.s32 @p0 $0x1  }
0x13: {  	[smem:$0x3FB6] =	sst s0;
	s0 =	simm.s32 @!p1 $0x0  }
0x14: {  	s2 =	sld [smem:$0x3F9A];
	s0 =	simm.s32 @p1 $0x1  }
0x15: {  	[smem:$0x3FB7] =	sst s0;
	s0 =	simm.s32 @!p2 $0x0  }
0x16: {  	s3 =	sld [smem:$0x3FDB];
	s0 =	simm.s32 @p2 $0x1  }
0x17: {  	s4 =	simm.s32 $0x1BF5;
	[smem:$0x3FB9] =	sst s0  }
0x18: {  	s0 =	sld [smem:$0x3F9C];
	_ =	swait.ge [sflag:s4], $0x0  }
0x19: {  	s7 =	sld [smem:$0x3F9D]  }
0x1a: {  	s8 =	sadd.s32 $0xFFFFE003, lr  }
0x1b: {  	s9 =	sadd.s32 $0xFFFFFEF7, lr;
	s5 =	simm.s32 $0xFFFFFFFF;
	p2 =	slt.u32 s8, $0xFFFFF086  }
0x1c: {  	p1 =	slt.u32 s9, $0xF7A;
	s5 =	simm.s32 @!p2 $0x0  }
0x1d: {  	s5 =	simm.s32 @p1 $0x1;
	p0 =	seq.s32 s7, s2  }
0x1e: {  	s7 =	smul.u32 @!p0 $0xF7A, s2;
	p2 =	seq.s32 @!p0 s5, $0x0  }
0x1f: {  	s9 =	smul.u32 $0xF7A, s1;
	s8 =	simm.s32 @!p0 $0x1BF5;
	p2 =	por !p2, p0  }
0x20: {  	[sflag:s8] =	ssyncset.s32 @!p0 $0xFFFFF086;
	s6 =	sadd.s32 @!p0 s3, s7;
	s7 =	simm.s32 @!p0 $0x108  }
0x21: {  	s3 =	sadd.s32 s3, s9;
	s6 =	sadd.s32 @!p0 $0x88, s6;
	s7 =	simm.s32 @p2 $0x1082  }
0x22: {  	[simem:s7], [sflag:s8] =	dma.local @!p0 [hbm:s6], $0xF7A  }
0x23: {  	s9 =	sor.u32 $0xD0000000, s2;
	s6 =	simm.s32 $0x108;
	_ =	swait.ge @!p0 [sflag:s8], $0x0  }
0x24: {  	s3 =	sadd.s32 $0x88, s3;
	s6 =	simm.s32 @!p1 $0x1082;
	[sflag:s4] =	ssyncset.s32 $0xFFFFF086  }
0x25: {  	[simem:s6], [sflag:s4] =	dma.local [hbm:s3], $0xF7A  }
0x26: {  	[smem:$0x3F9D] =	sst s1;
	(tag) =	ssettag s2;
	_ =	strace s9  }
0x27: {  	s1 =	sld [smem:$0x3FAD]  }
0x28: {  	s2 =	sld [smem:$0x3FAE]  }
0x29: {  	s4 =	sld [smem:$0x3FB0]  }
0x2a: {  	p0 =	seq.s32 s5, $0x0;
	s5 =	sld [smem:$0x3FB1]  }
0x2b: {  	s6 =	sld [smem:$0x3FB2]  }
0x2c: {  	s7 =	sld [smem:$0x3FB3]  }
0x2d: {  	s3 =	simm.s32 $0x108;
	s8 =	sld [smem:$0x3FB4]  }
0x2e: {  	s3 =	simm.s32 @!p0 $0x1082;
	s9 =	sld [smem:$0x3FB5]  }
0x2f: {  	lr =	sadd.s32 s0, s3;
	s0 =	sld [smem:$0x3FAC]  }
0x30: {  	s3 =	sld [smem:$0x3FAF]  }
0x31: {  	[smem:$0x3FB8] =	sst s10  }
0x32: {  	s10 =	sld [smem:$0x3FB6];
	_ =	sdelay $0x3  }
0x33: {  	p0 =	seq.s32 s10, $0x1;
	s10 =	sld [smem:$0x3FB8];
	_ =	sdelay $0x3  }
0x34: {  	[smem:$0x3FB8] =	sst s10  }
0x35: {  	s10 =	sld [smem:$0x3FB7];
	_ =	sdelay $0x3  }
0x36: {  	p1 =	seq.s32 s10, $0x1;
	s10 =	sld [smem:$0x3FB8];
	_ =	sdelay $0x3  }
0x37: {  	[smem:$0x3FB8] =	sst s10  }
0x38: {  	s10 =	sld [smem:$0x3FB9]  }
0x39: {  	_ = 	snop;
	(pc) =	sbr.ind lr, $3  }
0x3a: {  	_ = 	snop  }
0x3b: {  	_ = 	snop  }
0x3c: {  	p2 =	seq.s32 s10, $0x1;
	s10 =	sld [smem:$0x3FB8]  }
0x3d: {  	_ =	shalt  }
0x3e: {  	_ =	shalt  }
0x3f: {  	_ =	shalt  }
0x40: {  	_ =	shalt  }
0x41: {  	_ =	shalt  }
0x42: {  	_ =	shalt  }
0x43: {  	_ =	shalt  }
0x44: {  	_ =	shalt  }
0x45: {  	_ =	shalt  }
0x46: {  	_ =	shalt  }
0x47: {  	_ =	shalt  }
0x48: {  	_ =	shalt  }
0x49: {  	_ =	shalt  }
0x4a: {  	_ =	shalt  }
0x4b: {  	_ =	shalt  }
0x4c: {  	_ =	shalt  }
0x4d: {  	_ =	shalt  }
0x4e: {  	_ =	shalt  }
0x4f: {  	_ =	shalt  }
0x50: {  	_ =	shalt  }
0x51: {  	_ =	shalt  }
0x52: {  	_ =	shalt  }
0x53: {  	_ =	shalt  }
0x54: {  	_ =	shalt  }
0x55: {  	_ =	shalt  }
0x56: {  	_ =	shalt  }
0x57: {  	_ =	shalt  }
0x58: {  	_ =	shalt  }
0x59: {  	_ =	shalt  }
0x5a: {  	_ =	shalt  }
0x5b: {  	_ =	shalt  }
0x5c: {  	_ =	shalt  }
0x5d: {  	_ =	shalt  }
0x5e: {  	_ =	shalt  }
0x5f: {  	_ =	shalt  }
0x60: {  	_ =	shalt  }
0x61: {  	_ =	shalt  }
0x62: {  	_ =	shalt  }
0x63: {  	_ =	shalt  }
0x64: {  	_ =	shalt  }
0x65: {  	_ =	shalt  }
0x66: {  	_ =	shalt  }
0x67: {  	_ =	shalt  }
0x68: {  	_ =	shalt  }
0x69: {  	_ =	shalt  }
0x6a: {  	_ =	shalt  }
0x6b: {  	_ =	shalt  }
0x6c: {  	_ =	shalt  }
0x6d: {  	_ =	shalt  }
0x6e: {  	_ =	shalt  }
0x6f: {  	_ =	shalt  }
0x70: {  	_ =	shalt  }
0x71: {  	_ =	shalt  }
0x72: {  	_ =	shalt  }
0x73: {  	_ =	shalt  }
0x74: {  	_ =	shalt  }
0x75: {  	_ =	shalt  }
0x76: {  	_ =	shalt  }
0x77: {  	_ =	shalt  }
0x78: {  	_ =	shalt  }
0x79: {  	_ =	shalt  }
0x7a: {  	_ =	shalt  }
0x7b: {  	_ =	shalt  }
0x7c: {  	_ =	shalt  }
0x7d: {  	_ =	shalt  }
0x7e: {  	_ =	shalt  }
0x7f: {  	_ =	shalt  }
0x80: {  	_ =	shalt  }
0x81: {  	_ =	shalt  }
0x82: {  	_ =	shalt  }
0x83: {  	_ =	shalt  }
0x84: {  	_ =	shalt  }
0x85: {  	_ =	shalt  }
0x86: {  	_ =	shalt  }
0x87: {  	_ =	shalt  }
.Lfunc_end0:
.L_simem_size_0:
called_computation_lowered:
.L_overlay_start_0:
0x88: {  	s2 =	sld [smem:$0x3FD9]  }
0x89: {  	s3 =	sld [smem:$0x3FFE];
	_ =	sdelay $0x1  }
0x8a: {  	s1 =	srdreg.scid  }
0x8b: {  	s0 =	sand.u32 $0x1, s1  }
0x8c: {  	s14 =	sshll.u32 s0, $0xA;
	s2 =	sadd.s32 s3, s2  }
0x8d: {  	s2 =	sadd.s32 s2, s14  }
0x8e: {  	[smem:$0x3FC4] =	sst s2  }
0x8f: {  	_ = 	snop  }
0x90: {  	s2 =	sld [smem:$0x3FD0];
	_ =	sdelay $0x2  }
0x91: {  	s15 =	simm.s32 $0xA;
	s4 =	simm.s32 $0x10  }
0x92: {  	[smem:s4], [sflag:s15] =	dma.local [hbm:s2], $0x1  }
0x93: {  	_ =	swait.eq [sflag:s15], $0x1  }
0x94: {  	[sflag:s15] =	ssyncset.done $0x0  }
0x95: {  	s16 =	sld [smem:$0x10];
	[sflag:s15] =	ssyncadd.s32 $0xFFFFFFFF  }
0x96: {  	s17 =	sld [smem:$0x11];
	(tm) =	ssettm $0x1  }
0x97: {  	s18 =	sld [smem:$0x3FFB];
	_ =	sdelay $0x3  }
0x98: {  	_ =	strace s18  }
0x99: {  	s4 =	sld [smem:$0x3FFC];
	_ =	sdelay $0x3  }
0x9a: {  	_ =	strace s4  }
0x9b: {  	s4 =	sld [smem:$0x3FFD];
	_ =	sdelay $0x3  }
0x9c: {  	_ =	strace s4  }
0x9d: {  	_ =	strace $0x8FFFFFFF  }
0x9e: {  	s19 =	sld [smem:$0x3FDB];
	_ =	sdelay $0x1  }
0x9f: {  	s5 =	simm.s32 $_scs_section_size  }
0xa0: {  	s6 =	simm.s32 $_size__tile_overlayer_lowered;
	s7 =	simm.s32 $_tile_overlayer_lowered  }
0xa1: {  	s22 =	simm.s32 $0x1BFF;
	s21 =	sshll.u32 s7, $0x1;
	s4 =	sadd.s32 s5, s19  }
0xa2: {  	s8 =	simm.s32 $0x0;
	s20 =	sshll.u32 s6, $0x1;
	s6 =	sadd.s32 s21, s4  }
0xa3: {  	[timem:s8], [sflag:s22] =	dma.local [hbm:s6], s20  }
0xa4: {  	_ =	swait.ge [sflag:s22], s20  }
0xa5: {  	s5 =	ssub.s32 $0x0, s20;
	[sflag:s22] =	ssyncset.done $0x0  }
0xa6: {  	[sflag:s22] =	ssyncadd.s32 s5;
	_ =	sdelay $0x1  }
0xa7: {  	s23 =	simm.s32 $0x1B8B  }
0xa8: {  	_ =	swait.ge [sflag:s23], $0x1  }
0xa9: {  	[sflag:s23] =	ssyncset.done $0x0  }
0xaa: {  	s25 =	simm.s32 $0x1B8E;
	s24 =	sld [smem:$0x3FFE];
	[sflag:s23] =	ssyncadd.s32 $0xFFFFFFFF  }
0xab: {  	s26 =	simm.s32 $execute0_lowered;
	[smem:$0x3FD2] =	sst s25  }
0xac: {  	s6 =	sshll.u32 s26, $0x1;
	_ =	strace $0x80000046;
	[dreg:$0x1] =	wrdreg $0xFFFFFFFF  }
0xad: {  	s28 =	simm.s32 $_size_execute0_lowered;
	s4 =	sadd.s32 s4, s6;
	[dreg:$0x0] =	wrdreg $0x0  }
0xae: {  	s6 =	sshll.u32 s28, $0x1;
	[dreg:$0x2] =	wrdreg s4  }
0xaf: {  	[dreg:$0x3] =	wrdreg s6  }
0xb0: {  	[dreg:$0x4] =	wrdreg $0xC0  }
0xb1: {  	_ =	task [dreg:s8], $0x5FFFF  }
0xb2: {  	[dreg:$0x1] =	wrdreg $0xFFFFFFFF  }
0xb3: {  	[dreg:$0x0] =	wrdreg $0x60  }
0xb4: {  	[dreg:$0x2] =	wrdreg s24  }
0xb5: {  	[dreg:$0x3] =	wrdreg s16  }
0xb6: {  	[dreg:$0x4] =	wrdreg s17  }
0xb7: {  	[dreg:$0x5] =	wrdreg $0x9  }
0xb8: {  	_ =	task.clear_ibuf [dreg:s8], $0x6FFFF;
	_ =	strace $0x90000046  }
0xb9: {  	s29 =	simm.s32 $0x9;
	_ =	strace $0x80000048  }
0xba: {  	_ =	swait.ge [sflag:s29], $0x1  }
0xbb: {  	[sflag:s29] =	ssyncadd.s32 $0xFFFFFFFF  }
0xbc: {  	_ =	strace $0x90000048  }
0xbd: {  	_ =	sfence  }
0xbe: {  	s30 =	sld [smem:$0x0];
	_ =	sdelay $0x2  }
0xbf: {  	s31 =	sshll.u32 s1, $0xD;
	s1 =	sshrl.u32 s1, $0x2  }
0xc0: {  	s3 =	sand.u32 $0x4000, s31;
	s1 =	sadd.s32 s1, s30  }
0xc1: {  	s0 =	sor.u32 s3, s0;
	s1 =	sshll.u32 s1, $0x11  }
0xc2: {  	s0 =	sor.u32 s1, s0  }
0xc3: {  	s0 =	sadd.s32 $0x8F2B, s0  }
0xc4: {  	[sflag:s0] =	ssyncadd.remote.s32 $0x1  }
0xc5: {  	_ =	sfence.sel $0xFFFF  }
0xc6: {  	[dreg:$0x0] =	wrdreg $0xFFFFFFFF;
	(pc) =	sbr.abs _section_cstart, $3  }
0xc7: {  	[dreg:$0x1] =	wrdreg $0xFFFFFFFF  }
0xc8: {  	_ =	task.clear_ibuf [dreg:s8], $0x2FFFF;
	_ =	strace $0x9FFFFFFF  }
0xc9: {  	(tm) =	ssettm $0x7FFFFFFF  }
tec
execute0_lowered:
.L_overlay_start_1:
0x0: {  	(tag) =	ssettag $0x1  }
0x1: {  	s0 =	srdreg.scid  }
0x2: {  	s4 =	sand.u32 $0x1, s0;
	s0 =	stileid.u32  }
0x3: {  	s6 =	sor.u32 s0, s4  }
0x4: {  	p0 =	sne.s32 s6, $0x0  }
.Ltmp0:
0x5: {  	_ = 	snop;
	(pc) =	sbr.rel @p0 .LBB2_7-.Ltmp0, $4  }
0x6: {  	s5 =	rddreg [dreg:$0x0]  }
0x7: {  	s2 =	rddreg [dreg:$0x1]  }
0x8: {  	s3 =	rddreg [dreg:$0x2]  }
0x9: {  	s1 =	rddreg [dreg:$0x3];
	_ =	strace $0x80000047  }
0xa: {  	s6 =	ssub.s32 $0x2, s4;
	s4 =	sadd.s32 $0x600, s5  }
0xb: {  	s5 =	sadd.s32 $0x800, s5;
	s8 =	simm.s32 $0x1;
	s9 =	simm.s32 $0x400  }
0xc: {  	s10 =	simm.s32 $0xC00;
	s11 =	simm.s32 $0x800;
	s7 =	sshrl.u32 s6, $0x1  }
0xd: {  	v0 =	vimm.s32 $0x0;
	v1 =	vlaneseq.u32;
	s12 =	simm.s32 $0x0;
	s6 =	ssub.s32 s6, s7;
	s7 =	simm.s32 $0x0  }
.LBB2_2:
0xe: {  	[tilespmem:s7], [sflag:$0x1] =	stream.linear.gather [hbm4b:s4+s7], $0x400, $0x38;
	[tilespmem:$0x1000] =	vst v63  }
0xf: {  	_ =	swait.ge [sflag:s8], $0x400  }
0x10: {  	[sflag:s8] =	ssyncset.done $0x0  }
0x11: {  	[sflag:s8] =	ssyncadd.s32 $0xFFFFFC00  }
0x12: {  	[tilespmem:s9], [sflag:$0x1] =	stream.linear.gather [hbm4b:s5+s7], $0x400, $0x38;
	[tilespmem:$0x1000] =	vst v63  }
0x13: {  	_ =	swait.ge [sflag:s8], $0x400  }
0x14: {  	[sflag:s8] =	ssyncset.done $0x0  }
0x15: {  	[sflag:s8] =	ssyncadd.s32 $0xFFFFFC00  }
0x16: {  	[tilespmem:$0x800] =	vst v0  }
0x17: {  	[tilespmem:$0x810] =	vst v0  }
0x18: {  	[tilespmem:$0x820] =	vst v0  }
0x19: {  	[tilespmem:$0x830] =	vst v0  }
0x1a: {  	[tilespmem:$0x840] =	vst v0  }
0x1b: {  	[tilespmem:$0x850] =	vst v0  }
0x1c: {  	[tilespmem:$0x860] =	vst v0  }
0x1d: {  	[tilespmem:$0x870] =	vst v0  }
0x1e: {  	[tilespmem:$0x880] =	vst v0  }
0x1f: {  	[tilespmem:$0x890] =	vst v0  }
0x20: {  	[tilespmem:$0x8A0] =	vst v0  }
0x21: {  	[tilespmem:$0x8B0] =	vst v0  }
0x22: {  	[tilespmem:$0x8C0] =	vst v0  }
0x23: {  	[tilespmem:$0x8D0] =	vst v0  }
0x24: {  	[tilespmem:$0x8E0] =	vst v0  }
0x25: {  	[tilespmem:$0x8F0] =	vst v0  }
0x26: {  	[tilespmem:$0x900] =	vst v0  }
0x27: {  	[tilespmem:$0x910] =	vst v0  }
0x28: {  	[tilespmem:$0x920] =	vst v0  }
0x29: {  	[tilespmem:$0x930] =	vst v0  }
0x2a: {  	[tilespmem:$0x940] =	vst v0  }
0x2b: {  	[tilespmem:$0x950] =	vst v0  }
0x2c: {  	[tilespmem:$0x960] =	vst v0  }
0x2d: {  	[tilespmem:$0x970] =	vst v0  }
0x2e: {  	[tilespmem:$0x980] =	vst v0  }
0x2f: {  	[tilespmem:$0x990] =	vst v0  }
0x30: {  	[tilespmem:$0x9A0] =	vst v0  }
0x31: {  	[tilespmem:$0x9B0] =	vst v0  }
0x32: {  	[tilespmem:$0x9C0] =	vst v0  }
0x33: {  	[tilespmem:$0x9D0] =	vst v0  }
0x34: {  	[tilespmem:$0x9E0] =	vst v0  }
0x35: {  	[tilespmem:$0x9F0] =	vst v0  }
0x36: {  	[tilespmem:$0xA00] =	vst v0  }
0x37: {  	[tilespmem:$0xA10] =	vst v0  }
0x38: {  	[tilespmem:$0xA20] =	vst v0  }
0x39: {  	[tilespmem:$0xA30] =	vst v0  }
0x3a: {  	[tilespmem:$0xA40] =	vst v0  }
0x3b: {  	[tilespmem:$0xA50] =	vst v0  }
0x3c: {  	[tilespmem:$0xA60] =	vst v0  }
0x3d: {  	[tilespmem:$0xA70] =	vst v0  }
0x3e: {  	[tilespmem:$0xA80] =	vst v0  }
0x3f: {  	[tilespmem:$0xA90] =	vst v0  }
0x40: {  	[tilespmem:$0xAA0] =	vst v0  }
0x41: {  	[tilespmem:$0xAB0] =	vst v0  }
0x42: {  	[tilespmem:$0xAC0] =	vst v0  }
0x43: {  	[tilespmem:$0xAD0] =	vst v0  }
0x44: {  	[tilespmem:$0xAE0] =	vst v0  }
0x45: {  	[tilespmem:$0xAF0] =	vst v0  }
0x46: {  	[tilespmem:$0xB00] =	vst v0  }
0x47: {  	[tilespmem:$0xB10] =	vst v0  }
0x48: {  	[tilespmem:$0xB20] =	vst v0  }
0x49: {  	[tilespmem:$0xB30] =	vst v0  }
0x4a: {  	[tilespmem:$0xB40] =	vst v0  }
0x4b: {  	[tilespmem:$0xB50] =	vst v0  }
0x4c: {  	[tilespmem:$0xB60] =	vst v0  }
0x4d: {  	[tilespmem:$0xB70] =	vst v0  }
0x4e: {  	[tilespmem:$0xB80] =	vst v0  }
0x4f: {  	[tilespmem:$0xB90] =	vst v0  }
0x50: {  	[tilespmem:$0xBA0] =	vst v0  }
0x51: {  	[tilespmem:$0xBB0] =	vst v0  }
0x52: {  	[tilespmem:$0xBC0] =	vst v0  }
0x53: {  	[tilespmem:$0xBD0] =	vst v0  }
0x54: {  	[tilespmem:$0xBE0] =	vst v0  }
0x55: {  	[tilespmem:$0xBF0] =	vst v0  }
0x56: {  	v2 =	vld [tilespmem:s9+$0x0];
	_ =	sdelay $0x4  }
0x57: {  	vm0 =	vlt.f32 v2, $0.0e+00;
	vm1 =	vgt.f32 v2, $0.0e+00  }
0x58: {  	vm0 =	vmor vm1, vm0  }
0x59: {  	v2 =	vmpcnt.ones.xlane vm0;
	_ =	sdelay $0x1  }
0x5a: {  	(v2sf) =	vpush v2, $0x0;
	_ =	sdelay $0x4  }
0x5b: {  	v3 =	vor.u32 s7, v1  }
0x5c: {  	s15 =	simm.s32 $0x410;
	[tilespmem:s7+$0x800] =	vst.msk vm0, v3  }
0x5d: {  	s14 =	simm.s32 $0x10;
	s16 =	simm.s32 $0x20;
	s13 =	simm.s32 $0x0;
	v2 =	vld [tilespmem:s15+$0x0]  }
.LBB2_3:
0x5e: {  	p0 =	sne.s32 s16, $0x3F0;
	_ =	sdelay $0x3  }
0x5f: {  	vm0 =	vlt.f32 v2, $0.0e+00;
	vm1 =	vgt.f32 v2, $0.0e+00  }
0x60: {  	vm0 =	vmor vm1, vm0  }
0x61: {  	v2 =	vmpcnt.ones.xlane vm0  }
0x62: {  	s17 =	spop (v2sf)  }
0x63: {  	v3 =	vor.u32 s14, v1;
	s14 =	smov.u32 s16;
	(v2sf) =	vpush v2, $0x0;
	s13 =	sadd.s32 s13, s17  }
0x64: {  	[tilespmem:s13+$0x800] =	vst.msk vm0, v3;
	_ =	sdelay $0x1  }
.Ltmp1:
0x65: {  	(pc) =	sbr.rel @p0 .LBB2_3-.Ltmp1, $3  }
0x66: {  	_ =	sdelay $0x1  }
0x67: {  	s15 =	sadd.s32 $0x10, s15  }
0x68: {  	s16 =	sadd.s32 $0x10, s16;
	v2 =	vld [tilespmem:s15+$0x0]  }
0x69: {  	_ =	sdelay $0x5  }
0x6a: {  	vm0 =	vlt.f32 v2, $0.0e+00;
	vm1 =	vgt.f32 v2, $0.0e+00  }
0x6b: {  	vm0 =	vmor vm1, vm0;
	s15 =	spop (v2sf)  }
0x6c: {  	v3 =	vor.u32 s14, v1;
	v2 =	vmpcnt.ones.xlane vm0;
	s13 =	sadd.s32 s13, s15  }
0x6d: {  	[tilespmem:s13+$0x800] =	vst.msk vm0, v3;
	s13 =	simm.s32 $0x0  }
0x6e: {  	(v2sf) =	vpush v2, $0x0;
	v2 =	vld [tilespmem:s13+$0x800];
	_ =	sdelay $0x7  }
0x6f: {  	v3 =	vld.idx.msk [tilespmem:v2+s9+$0x0], $0xffff;
	_ =	sdelay $0x4  }
0x70: {  	(erf) = vrcp.f32 v3;
	_ =	sdelay $0x3  }
0x71: {  	s14 =	simm.s32 $0x80;
	s15 =	simm.s32 $0x10;
	v2 =	vld.idx.msk [tilespmem:v2+s7+$0x0], $0xffff;
	s31 =	spop (v2sf)  }
.LBB2_5:
0x72: {  	p0 =	sne.s32 s14, $0xFC0;
	v3 =	vld [tilespmem:s15+$0x800];
	_ =	sdelay $0x3  }
0x73: {  	v4 =	vpop (erf)  }
0x74: {  	v2 =	vmul.f32 v4, v2;
	_ =	sdelay $0x1  }
0x75: {  	[tilespmem:s13+$0xC00] =	vst v2;
	s13 =	smov.u32 s15  }
0x76: {  	v2 =	vld.idx.msk [tilespmem:v3+s9+$0x0], $0xffff;
	_ =	sdelay $0x5  }
.Ltmp2:
0x77: {  	(erf) = vrcp.f32 v2;
	(pc) =	sbr.rel @p0 .LBB2_5-.Ltmp2, $2  }
0x78: {  	_ =	sdelay $0x2  }
0x79: {  	s15 =	sshra.s32 s14, $0x2;
	s14 =	sadd.s32 $0x40, s14;
	v2 =	vld.idx.msk [tilespmem:v3+s7+$0x0], $0xffff  }
0x7a: {  	v3 =	vld [tilespmem:s15+$0x800];
	_ =	sdelay $0x3  }
0x7b: {  	v4 =	vpop (erf)  }
0x7c: {  	v2 =	vmul.f32 v4, v2;
	_ =	sdelay $0x1  }
0x7d: {  	[tilespmem:s13+$0xC00] =	vst v2  }
0x7e: {  	v2 =	vld.idx.msk [tilespmem:v3+s9+$0x0], $0xffff;
	_ =	sdelay $0x4  }
0x7f: {  	(erf) = vrcp.f32 v2;
	_ =	sdelay $0x4  }
0x80: {  	v2 =	vld.idx.msk [tilespmem:v3+s7+$0x0], $0xffff;
	_ =	sdelay $0x3  }
0x81: {  	v3 =	vpop (erf)  }
0x82: {  	v2 =	vmul.f32 v3, v2;
	_ =	sdelay $0x1  }
0x83: {  	[tilespmem:s15+$0xC00] =	vst v2  }
0x84: {  	[hbm4b:s2+s7] =	stream.linear.scatter [tilespmem:s10], [sflag:$0x1], $0x400, $0x38;
	[tilespmem:$0x1000] =	vst v63  }
0x85: {  	s12 =	sadd.s32 $0x1, s12;
	_ =	swait.ge [sflag:s8], $0x400  }
0x86: {  	p0 =	sne.s32 s12, s6;
	[sflag:s8] =	ssyncset.done $0x0  }
.Ltmp3:
0x87: {  	[sflag:s8] =	ssyncadd.s32 $0xFFFFFC00;
	(pc) =	sbr.rel @p0 .LBB2_2-.Ltmp3, $4  }
0x88: {  	[hbm4b:s3+s7] =	stream.linear.scatter [tilespmem:s11], [sflag:$0x1], $0x400, $0x38;
	[tilespmem:$0x1000] =	vst v63  }
0x89: {  	_ =	swait.ge [sflag:s8], $0x400  }
0x8a: {  	[sflag:s8] =	ssyncset.done $0x0  }
0x8b: {  	[sflag:s8] =	ssyncadd.s32 $0xFFFFFC00  }
.LBB2_7:
0x8c: {  	_ =	sfence.sel $0x180000  }
0x8d: {  	[bflag:$0x0] =	sbarrier.arrive $0xFFFF  }
0x8e: {  	p0 =	sne.s32 s0, $0x0;
	_ =	strace $0x90000047  }
0x8f: {  	s0 =	sadd.s32 @!p0 $0x100000, s1;
	[bflag:$0x2] =	sbarrier.arrive $0xFFFF  }
0x90: {  	[sflag:s0] =	ssyncadd.tile.s32 @!p0 $0x1;
	_ =	shalt  }
.Lfunc_end2:
_tile_overlayer_lowered:
.L_overlay_start_2:
0x91: {  	(tag) =	ssettag $0x2  }
0x92: {  	s0 =	rddreg [dreg:$0x0];
	s2 =	stileid.u32  }
0x93: {  	s1 =	rddreg [dreg:$0x1];
	p0 =	sne.s32 s2, $0x0  }
0x94: {  	s3 =	rddreg [dreg:$0x2];
	[bflag:$0x3] =	sbarrier.arrive $0xFFFF;
	s2 =	simm.s32 @!p0 $0x1C01  }
0x95: {  	[timem:s3], [sflag:s2] =	dma.local @!p0 [hbm:s0], s1  }
0x96: {  	s0 =	simm.s32 @!p0 $0x1  }
0x97: {  	_ =	swait.ge @!p0 [sflag:s0], s1  }
0x98: {  	s1 =	ssub.s32 @!p0 $0x0, s1;
	[sflag:s0] =	ssyncset.done @!p0 $0x0  }
0x99: {  	[sflag:s0] =	ssyncadd.s32 @!p0 s1  }
0x9a: {  	[bflag:$0x3] =	sbarrier.arrive $0xFFFF  }
0x9b: {  	_ =	shalt  }

</sc_bundles>
